<compile_context>
chip_gen: v7x
topology: tpu7x:2x2x1
jax: 0.10.2.dev20260603
libtpu: 0.0.44.dev20260713+nightly
codegen_flags: <defaults>
</compile_context>

<pallas_src>
import functools

import jax
import jax.numpy as jnp
from jax import lax
from jax.experimental import pallas as pl
from jax.experimental.pallas import tpu as pltpu
from jax.experimental.pallas import tpu_sc as plsc

NUM_EXPERTS = 16
TOP_K = 2
INPUT_DIM = 768
OUTPUT_DIM = 256
TOKEN_BLOCK = 512
N_TOKENS = 4096

_NC = 2
_NS = 16
_ROWS_PER_W = N_TOKENS // (_NC * _NS)


def _gate_logits_kernel(x_ref, wg_ref, bg_ref, o_ref):
    o_ref[...] = jax.lax.dot_general(
        x_ref[...], wg_ref[...], (((1,), (1,)), ((), ())),
        preferred_element_type=jnp.float32) + bg_ref[...]


def _route_sc_kernel(logits_hbm, cw_hbm, buf, obuf):
    wid = lax.axis_index("s") * _NC + lax.axis_index("c")
    base = wid * _ROWS_PER_W
    pltpu.sync_copy(logits_hbm.at[pl.ds(base, _ROWS_PER_W)], buf)
    e_iota = lax.iota(jnp.int32, NUM_EXPERTS)
    neg_inf = jnp.float32(-jnp.inf)

    def allreduce(v, op):
        for s in (8, 4, 2, 1):
            shuf = v.at[e_iota ^ s].get(mode="promise_in_bounds",
                                        unique_indices=True)
            v = op(v, shuf)
        return v

    def body(i, _):
        row = buf[i]
        m = allreduce(row, jnp.maximum)
        e = jnp.exp(row - m)
        w = e / allreduce(e, jnp.add)
        big = jnp.int32(NUM_EXPERTS)
        v1 = allreduce(w, jnp.maximum)
        i1 = allreduce(jnp.where(w == v1, e_iota, big), jnp.minimum)
        w2 = jnp.where(e_iota == i1, neg_inf, w)
        v2 = allreduce(w2, jnp.maximum)
        i2 = allreduce(jnp.where(w2 == v2, e_iota, big), jnp.minimum)
        obuf[i] = (jnp.where(e_iota == i1, v1, 0.0)
                   + jnp.where(e_iota == i2, v2, 0.0))
        return 0

    lax.fori_loop(0, _ROWS_PER_W, body, 0)
    pltpu.sync_copy(obuf, cw_hbm.at[pl.ds(base, _ROWS_PER_W)])


_route_sc = functools.partial(
    pl.kernel,
    mesh=plsc.VectorSubcoreMesh(core_axis_name="c", subcore_axis_name="s"),
    out_type=jax.ShapeDtypeStruct((N_TOKENS, NUM_EXPERTS), jnp.float32),
    scratch_types=[
        pltpu.VMEM((_ROWS_PER_W, NUM_EXPERTS), jnp.float32),
        pltpu.VMEM((_ROWS_PER_W, NUM_EXPERTS), jnp.float32),
    ],
)(_route_sc_kernel)


def _moe_block_kernel(x_ref, cw_ref, we_ref, be_ref, o_ref):
    x = x_ref[...]
    cw = cw_ref[...]
    acc = jnp.zeros((x.shape[0], OUTPUT_DIM), jnp.float32)
    for e in range(NUM_EXPERTS):
        ye = jax.lax.dot_general(
            x, we_ref[e], (((1,), (1,)), ((), ())),
            preferred_element_type=jnp.float32)
        acc = acc + cw[:, e][:, None] * (ye + be_ref[e][None, :])
    o_ref[...] = acc


@jax.jit
def kernel(x, Wg, bg, We, be):
    bs, L, d = x.shape
    n_tokens = bs * L
    xf = x.reshape(n_tokens, d)

    logits = pl.pallas_call(
        _gate_logits_kernel,
        grid=(n_tokens // 1024,),
        in_specs=[
            pl.BlockSpec((1024, d), lambda i: (i, 0)),
            pl.BlockSpec((NUM_EXPERTS, d), lambda i: (0, 0)),
            pl.BlockSpec((1, NUM_EXPERTS), lambda i: (0, 0)),
        ],
        out_specs=pl.BlockSpec((1024, NUM_EXPERTS), lambda i: (i, 0)),
        out_shape=jax.ShapeDtypeStruct((n_tokens, NUM_EXPERTS), jnp.float32),
    )(xf, Wg, bg.reshape(1, NUM_EXPERTS))

    cw = _route_sc(logits)

    out = pl.pallas_call(
        _moe_block_kernel,
        grid=(n_tokens // TOKEN_BLOCK,),
        in_specs=[
            pl.BlockSpec((TOKEN_BLOCK, d), lambda i: (i, 0)),
            pl.BlockSpec((TOKEN_BLOCK, NUM_EXPERTS), lambda i: (i, 0)),
            pl.BlockSpec((NUM_EXPERTS, OUTPUT_DIM, d), lambda i: (0, 0, 0)),
            pl.BlockSpec((NUM_EXPERTS, OUTPUT_DIM), lambda i: (0, 0)),
        ],
        out_specs=pl.BlockSpec((TOKEN_BLOCK, OUTPUT_DIM), lambda i: (i, 0)),
        out_shape=jax.ShapeDtypeStruct((n_tokens, OUTPUT_DIM), jnp.float32),
    )(xf, cw, We, be)
    return out.reshape(bs, L, OUTPUT_DIM)

# --- scband reference (transcript-rebuilt; emitter-appended) ---
"""Pipeline reference for scband-mo-etext-projection-71665824301088 (READ-ONLY COPY).

The authoritative reference and input builder live on the scoring server;
editing this copy changes nothing except your own understanding.
"""

import jax, jax.numpy as jnp
import numpy as np

NUM_EXPERTS = 16
TOP_K = 2
INPUT_DIM = 768
OUTPUT_DIM = 256
BS = 2
L = 2048


def setup_inputs(seed: int = 0) -> dict:
    key = jax.random.key(seed)
    k1, k2, k3, k4, k5 = jax.random.split(key, 5)
    x = jax.random.normal(k1, (BS, L, INPUT_DIM), dtype=jnp.float32)
    # gate_network: nn.Linear(input_dim, num_experts) -> weight (E, in), bias (E,)
    Wg = jax.random.normal(k2, (NUM_EXPERTS, INPUT_DIM), dtype=jnp.float32) * 0.02
    bg = jax.random.normal(k3, (NUM_EXPERTS,), dtype=jnp.float32) * 0.02
    # experts[e].w1: nn.Linear(input_dim, output_dim) -> weight (out, in), bias (out,)
    We = jax.random.normal(k4, (NUM_EXPERTS, OUTPUT_DIM, INPUT_DIM), dtype=jnp.float32) * 0.02
    be = jax.random.normal(k5, (NUM_EXPERTS, OUTPUT_DIM), dtype=jnp.float32) * 0.02
    return {"x": x, "Wg": Wg, "bg": bg, "We": We, "be": be}


def reference(x, Wg, bg, We, be):
    bs, Lx, _ = x.shape
    # gate
    gate_logits = jnp.einsum('bld,ed->ble', x, Wg) + bg
    gate_weights = jax.nn.softmax(gate_logits, axis=-1)
    topk_values, topk_indices = jax.lax.top_k(gate_weights, TOP_K)
    # compute every expert output for every token (math-equivalent to the
    # per-token expert dispatch in the torch loop), then gather per top-k index
    all_out = jnp.einsum('bld,eod->bleo', x, We) + be  # (bs, L, E, out)
    output = jnp.zeros((bs, Lx, OUTPUT_DIM), dtype=jnp.float32)
    for i in range(TOP_K):
        expert_idx = topk_indices[..., i]                      # (bs, L) int32
        expert_weight = topk_values[..., i][..., None]         # (bs, L, 1)
        idx_b = jnp.broadcast_to(expert_idx[..., None, None], (bs, Lx, 1, OUTPUT_DIM))
        expert_output = jnp.take_along_axis(all_out, idx_b, axis=2)[:, :, 0, :]
        output = output + expert_output * expert_weight
    return output

if __name__ == "__main__":
    import jax
    _d = setup_inputs()
    print(jax.jit(kernel)(*tuple(_d.values())))

</pallas_src>

<mosaic_0001>
#map = affine_map<(d0, d1) -> (0, 0)>
module attributes {stable_mosaic.version = 14 : i64} {
  func.func @_route_sc_kernel(%arg0: i32, %arg1: i32, %arg2: memref<4096x16xf32, #tpu.memory_space<hbm>>, %arg3: memref<4096x16xf32, #tpu.memory_space<hbm>>, %arg4: memref<128x16xf32, #tpu.memory_space<vmem>>, %arg5: memref<128x16xf32, #tpu.memory_space<vmem>>) attributes {dimension_semantics = [#tpu.dimension_semantics<core_parallel>, #tpu.dimension_semantics<subcore_parallel>], iteration_bounds = array<i64: 2, 16>, scalar_prefetch = 0 : i64, scratch_operands = 2 : i64, tpu.core_type = #tpu.core_type<sc_vector_subcore>, window_params = [{transform_indices = #map}, {transform_indices = #map}]} {
    %mul3A = arith.constant 2 : i32
    %mul3A_0 = arith.muli %arg1, %mul3A : i32
    %add3A = arith.addi %mul3A_0, %arg0 : i32
    %mul3A_1 = arith.constant 128 : i32
    %mul3A_2 = arith.muli %add3A, %mul3A_1 : i32
    "tpu.region"() ({
      %run_scoped3A = tpu.sem_alloc : memref<!tpu.dma_semaphore, #tpu.memory_space<semaphore_mem>>
      %dma_start3A = arith.constant 0 : i32
      %dma_start3A_10 = tpu.memref_slice %arg2[%mul3A_2, %dma_start3A] : memref<4096x16xf32, #tpu.memory_space<hbm>> -> memref<128x16xf32, #tpu.memory_space<hbm>>
      %dma_start3A_11 = arith.constant 0 : i32
      %dma_start3A_12 = tpu.memref_slice %arg2[%mul3A_2, %dma_start3A_11] : memref<4096x16xf32, #tpu.memory_space<hbm>> -> memref<128x16xf32, #tpu.memory_space<hbm>>
      tpu.enqueue_dma source(%dma_start3A_12 : memref<128x16xf32, #tpu.memory_space<hbm>>) target(%arg4 : memref<128x16xf32, #tpu.memory_space<vmem>>) target_semaphore(%run_scoped3A : memref<!tpu.dma_semaphore, #tpu.memory_space<semaphore_mem>>)
      %dma_wait3A = arith.constant 0 : i32
      %dma_wait3A_13 = tpu.memref_slice %arg2[%mul3A_2, %dma_wait3A] : memref<4096x16xf32, #tpu.memory_space<hbm>> -> memref<128x16xf32, #tpu.memory_space<hbm>>
      %dma_wait3A_14 = arith.constant 0 : i32
      %dma_wait3A_15 = tpu.memref_slice %arg2[%mul3A_2, %dma_wait3A_14] : memref<4096x16xf32, #tpu.memory_space<hbm>> -> memref<128x16xf32, #tpu.memory_space<hbm>>
      tpu.wait_dma2 semaphore(%run_scoped3A : memref<!tpu.dma_semaphore, #tpu.memory_space<semaphore_mem>>) src(%dma_wait3A_15 : memref<128x16xf32, #tpu.memory_space<hbm>>) dst(%arg4 : memref<128x16xf32, #tpu.memory_space<vmem>>)
      tpu.yield
    }) : () -> ()
    %iota3A = tpu.iota {dimensions = array<i32: 0>} : vector<16xi32>
    %scan3A = arith.constant 0xFF800000 : f32
    %scan3A_3 = arith.constant 0 : i32
    %scan3A_4 = arith.constant 0 : i32
    %scan3A_5 = arith.constant 128 : i32
    %scan3A_6 = arith.addi %scan3A_4, %scan3A_5 : i32
    %scan3A_7 = arith.constant 1 : i32
    %scan3A_8 = scf.for %scan3A_10 = %scan3A_4 to %scan3A_6 step %scan3A_7 iter_args(%scan3A_11 = %scan3A_3) -> (i32)  : i32 {
      %get3A = arith.index_cast %scan3A_10 : i32 to index
      %get3A_12 = arith.constant 0 : index
      %get3A_13 = tpu.vector_load %arg4[%get3A, %get3A_12] {strides = array<i32>} : memref<128x16xf32, #tpu.memory_space<vmem>>, vector<1x16xf32>,
      %get3A_14 = vector.shape_cast %get3A_13 : vector<1x16xf32> to vector<16xf32>
      %xor3A = arith.constant 8 : i32
      %xor3A_15 = vector.broadcast %xor3A : i32 to vector<16xi32>
      %xor3A_16 = arith.xori %iota3A, %xor3A_15 : vector<16xi32>
      %lt3A = arith.constant 0 : i32
      %lt3A_17 = vector.broadcast %lt3A : i32 to vector<16xi32>
      %lt3A_18 = arith.cmpi slt, %xor3A_16, %lt3A_17 : vector<16xi32>
      %add3A_19 = arith.constant 16 : i32
      %add3A_20 = vector.broadcast %add3A_19 : i32 to vector<16xi32>
      %add3A_21 = arith.addi %xor3A_16, %add3A_20 : vector<16xi32>
      %select_n3A = arith.select %lt3A_18, %add3A_21, %xor3A_16 : vector<16xi1>, vector<16xi32>
      %broadcast_in_dim3A = vector.shape_cast %select_n3A : vector<16xi32> to vector<16x1xi32>
      %gather3A = vector.shape_cast %broadcast_in_dim3A : vector<16x1xi32> to vector<16xi32>
      %gather3A_22 = tpu.dynamic_gather %get3A_14[%gather3A] in [0] : vector<16xf32>, vector<16xi32> -> vector<16xf32>
      %max3A = arith.maximumf %get3A_14, %gather3A_22 : vector<16xf32>
      %xor3A_23 = arith.constant 4 : i32
      %xor3A_24 = vector.broadcast %xor3A_23 : i32 to vector<16xi32>
      %xor3A_25 = arith.xori %iota3A, %xor3A_24 : vector<16xi32>
      %lt3A_26 = arith.constant 0 : i32
      %lt3A_27 = vector.broadcast %lt3A_26 : i32 to vector<16xi32>
      %lt3A_28 = arith.cmpi slt, %xor3A_25, %lt3A_27 : vector<16xi32>
      %add3A_29 = arith.constant 16 : i32
      %add3A_30 = vector.broadcast %add3A_29 : i32 to vector<16xi32>
      %add3A_31 = arith.addi %xor3A_25, %add3A_30 : vector<16xi32>
      %select_n3A_32 = arith.select %lt3A_28, %add3A_31, %xor3A_25 : vector<16xi1>, vector<16xi32>
      %broadcast_in_dim3A_33 = vector.shape_cast %select_n3A_32 : vector<16xi32> to vector<16x1xi32>
      %gather3A_34 = vector.shape_cast %broadcast_in_dim3A_33 : vector<16x1xi32> to vector<16xi32>
      %gather3A_35 = tpu.dynamic_gather %max3A[%gather3A_34] in [0] : vector<16xf32>, vector<16xi32> -> vector<16xf32>
      %max3A_36 = arith.maximumf %max3A, %gather3A_35 : vector<16xf32>
      %xor3A_37 = arith.constant 2 : i32
      %xor3A_38 = vector.broadcast %xor3A_37 : i32 to vector<16xi32>
      %xor3A_39 = arith.xori %iota3A, %xor3A_38 : vector<16xi32>
      %lt3A_40 = arith.constant 0 : i32
      %lt3A_41 = vector.broadcast %lt3A_40 : i32 to vector<16xi32>
      %lt3A_42 = arith.cmpi slt, %xor3A_39, %lt3A_41 : vector<16xi32>
      %add3A_43 = arith.constant 16 : i32
      %add3A_44 = vector.broadcast %add3A_43 : i32 to vector<16xi32>
      %add3A_45 = arith.addi %xor3A_39, %add3A_44 : vector<16xi32>
      %select_n3A_46 = arith.select %lt3A_42, %add3A_45, %xor3A_39 : vector<16xi1>, vector<16xi32>
      %broadcast_in_dim3A_47 = vector.shape_cast %select_n3A_46 : vector<16xi32> to vector<16x1xi32>
      %gather3A_48 = vector.shape_cast %broadcast_in_dim3A_47 : vector<16x1xi32> to vector<16xi32>
      %gather3A_49 = tpu.dynamic_gather %max3A_36[%gather3A_48] in [0] : vector<16xf32>, vector<16xi32> -> vector<16xf32>
      %max3A_50 = arith.maximumf %max3A_36, %gather3A_49 : vector<16xf32>
      %xor3A_51 = arith.constant 1 : i32
      %xor3A_52 = vector.broadcast %xor3A_51 : i32 to vector<16xi32>
      %xor3A_53 = arith.xori %iota3A, %xor3A_52 : vector<16xi32>
      %lt3A_54 = arith.constant 0 : i32
      %lt3A_55 = vector.broadcast %lt3A_54 : i32 to vector<16xi32>
      %lt3A_56 = arith.cmpi slt, %xor3A_53, %lt3A_55 : vector<16xi32>
      %add3A_57 = arith.constant 16 : i32
      %add3A_58 = vector.broadcast %add3A_57 : i32 to vector<16xi32>
      %add3A_59 = arith.addi %xor3A_53, %add3A_58 : vector<16xi32>
      %select_n3A_60 = arith.select %lt3A_56, %add3A_59, %xor3A_53 : vector<16xi1>, vector<16xi32>
      %broadcast_in_dim3A_61 = vector.shape_cast %select_n3A_60 : vector<16xi32> to vector<16x1xi32>
      %gather3A_62 = vector.shape_cast %broadcast_in_dim3A_61 : vector<16x1xi32> to vector<16xi32>
      %gather3A_63 = tpu.dynamic_gather %max3A_50[%gather3A_62] in [0] : vector<16xf32>, vector<16xi32> -> vector<16xf32>
      %max3A_64 = arith.maximumf %max3A_50, %gather3A_63 : vector<16xf32>
      %sub3A = arith.subf %get3A_14, %max3A_64 : vector<16xf32>
      %exp3A = math.exp %sub3A : vector<16xf32>
      %xor3A_65 = arith.constant 8 : i32
      %xor3A_66 = vector.broadcast %xor3A_65 : i32 to vector<16xi32>
      %xor3A_67 = arith.xori %iota3A, %xor3A_66 : vector<16xi32>
      %lt3A_68 = arith.constant 0 : i32
      %lt3A_69 = vector.broadcast %lt3A_68 : i32 to vector<16xi32>
      %lt3A_70 = arith.cmpi slt, %xor3A_67, %lt3A_69 : vector<16xi32>
      %add3A_71 = arith.constant 16 : i32
      %add3A_72 = vector.broadcast %add3A_71 : i32 to vector<16xi32>
      %add3A_73 = arith.addi %xor3A_67, %add3A_72 : vector<16xi32>
      %select_n3A_74 = arith.select %lt3A_70, %add3A_73, %xor3A_67 : vector<16xi1>, vector<16xi32>
      %broadcast_in_dim3A_75 = vector.shape_cast %select_n3A_74 : vector<16xi32> to vector<16x1xi32>
      %gather3A_76 = vector.shape_cast %broadcast_in_dim3A_75 : vector<16x1xi32> to vector<16xi32>
      %gather3A_77 = tpu.dynamic_gather %exp3A[%gather3A_76] in [0] : vector<16xf32>, vector<16xi32> -> vector<16xf32>
      %add3A_78 = arith.addf %exp3A, %gather3A_77 : vector<16xf32>
      %xor3A_79 = arith.constant 4 : i32
      %xor3A_80 = vector.broadcast %xor3A_79 : i32 to vector<16xi32>
      %xor3A_81 = arith.xori %iota3A, %xor3A_80 : vector<16xi32>
      %lt3A_82 = arith.constant 0 : i32
      %lt3A_83 = vector.broadcast %lt3A_82 : i32 to vector<16xi32>
      %lt3A_84 = arith.cmpi slt, %xor3A_81, %lt3A_83 : vector<16xi32>
      %add3A_85 = arith.constant 16 : i32
      %add3A_86 = vector.broadcast %add3A_85 : i32 to vector<16xi32>
      %add3A_87 = arith.addi %xor3A_81, %add3A_86 : vector<16xi32>
      %select_n3A_88 = arith.select %lt3A_84, %add3A_87, %xor3A_81 : vector<16xi1>, vector<16xi32>
      %broadcast_in_dim3A_89 = vector.shape_cast %select_n3A_88 : vector<16xi32> to vector<16x1xi32>
      %gather3A_90 = vector.shape_cast %broadcast_in_dim3A_89 : vector<16x1xi32> to vector<16xi32>
      %gather3A_91 = tpu.dynamic_gather %add3A_78[%gather3A_90] in [0] : vector<16xf32>, vector<16xi32> -> vector<16xf32>
      %add3A_92 = arith.addf %add3A_78, %gather3A_91 : vector<16xf32>
      %xor3A_93 = arith.constant 2 : i32
      %xor3A_94 = vector.broadcast %xor3A_93 : i32 to vector<16xi32>
      %xor3A_95 = arith.xori %iota3A, %xor3A_94 : vector<16xi32>
      %lt3A_96 = arith.constant 0 : i32
      %lt3A_97 = vector.broadcast %lt3A_96 : i32 to vector<16xi32>
      %lt3A_98 = arith.cmpi slt, %xor3A_95, %lt3A_97 : vector<16xi32>
      %add3A_99 = arith.constant 16 : i32
      %add3A_100 = vector.broadcast %add3A_99 : i32 to vector<16xi32>
      %add3A_101 = arith.addi %xor3A_95, %add3A_100 : vector<16xi32>
      %select_n3A_102 = arith.select %lt3A_98, %add3A_101, %xor3A_95 : vector<16xi1>, vector<16xi32>
      %broadcast_in_dim3A_103 = vector.shape_cast %select_n3A_102 : vector<16xi32> to vector<16x1xi32>
      %gather3A_104 = vector.shape_cast %broadcast_in_dim3A_103 : vector<16x1xi32> to vector<16xi32>
      %gather3A_105 = tpu.dynamic_gather %add3A_92[%gather3A_104] in [0] : vector<16xf32>, vector<16xi32> -> vector<16xf32>
      %add3A_106 = arith.addf %add3A_92, %gather3A_105 : vector<16xf32>
      %xor3A_107 = arith.constant 1 : i32
      %xor3A_108 = vector.broadcast %xor3A_107 : i32 to vector<16xi32>
      %xor3A_109 = arith.xori %iota3A, %xor3A_108 : vector<16xi32>
      %lt3A_110 = arith.constant 0 : i32
      %lt3A_111 = vector.broadcast %lt3A_110 : i32 to vector<16xi32>
      %lt3A_112 = arith.cmpi slt, %xor3A_109, %lt3A_111 : vector<16xi32>
      %add3A_113 = arith.constant 16 : i32
      %add3A_114 = vector.broadcast %add3A_113 : i32 to vector<16xi32>
      %add3A_115 = arith.addi %xor3A_109, %add3A_114 : vector<16xi32>
      %select_n3A_116 = arith.select %lt3A_112, %add3A_115, %xor3A_109 : vector<16xi1>, vector<16xi32>
      %broadcast_in_dim3A_117 = vector.shape_cast %select_n3A_116 : vector<16xi32> to vector<16x1xi32>
      %gather3A_118 = vector.shape_cast %broadcast_in_dim3A_117 : vector<16x1xi32> to vector<16xi32>
      %gather3A_119 = tpu.dynamic_gather %add3A_106[%gather3A_118] in [0] : vector<16xf32>, vector<16xi32> -> vector<16xf32>
      %add3A_120 = arith.addf %add3A_106, %gather3A_119 : vector<16xf32>
      %div3A = arith.divf %exp3A, %add3A_120 : vector<16xf32>
      %xor3A_121 = arith.constant 8 : i32
      %xor3A_122 = vector.broadcast %xor3A_121 : i32 to vector<16xi32>
      %xor3A_123 = arith.xori %iota3A, %xor3A_122 : vector<16xi32>
      %lt3A_124 = arith.constant 0 : i32
      %lt3A_125 = vector.broadcast %lt3A_124 : i32 to vector<16xi32>
      %lt3A_126 = arith.cmpi slt, %xor3A_123, %lt3A_125 : vector<16xi32>
      %add3A_127 = arith.constant 16 : i32
      %add3A_128 = vector.broadcast %add3A_127 : i32 to vector<16xi32>
      %add3A_129 = arith.addi %xor3A_123, %add3A_128 : vector<16xi32>
      %select_n3A_130 = arith.select %lt3A_126, %add3A_129, %xor3A_123 : vector<16xi1>, vector<16xi32>
      %broadcast_in_dim3A_131 = vector.shape_cast %select_n3A_130 : vector<16xi32> to vector<16x1xi32>
      %gather3A_132 = vector.shape_cast %broadcast_in_dim3A_131 : vector<16x1xi32> to vector<16xi32>
      %gather3A_133 = tpu.dynamic_gather %div3A[%gather3A_132] in [0] : vector<16xf32>, vector<16xi32> -> vector<16xf32>
      %max3A_134 = arith.maximumf %div3A, %gather3A_133 : vector<16xf32>
      %xor3A_135 = arith.constant 4 : i32
      %xor3A_136 = vector.broadcast %xor3A_135 : i32 to vector<16xi32>
      %xor3A_137 = arith.xori %iota3A, %xor3A_136 : vector<16xi32>
      %lt3A_138 = arith.constant 0 : i32
      %lt3A_139 = vector.broadcast %lt3A_138 : i32 to vector<16xi32>
      %lt3A_140 = arith.cmpi slt, %xor3A_137, %lt3A_139 : vector<16xi32>
      %add3A_141 = arith.constant 16 : i32
      %add3A_142 = vector.broadcast %add3A_141 : i32 to vector<16xi32>
      %add3A_143 = arith.addi %xor3A_137, %add3A_142 : vector<16xi32>
      %select_n3A_144 = arith.select %lt3A_140, %add3A_143, %xor3A_137 : vector<16xi1>, vector<16xi32>
      %broadcast_in_dim3A_145 = vector.shape_cast %select_n3A_144 : vector<16xi32> to vector<16x1xi32>
      %gather3A_146 = vector.shape_cast %broadcast_in_dim3A_145 : vector<16x1xi32> to vector<16xi32>
      %gather3A_147 = tpu.dynamic_gather %max3A_134[%gather3A_146] in [0] : vector<16xf32>, vector<16xi32> -> vector<16xf32>
      %max3A_148 = arith.maximumf %max3A_134, %gather3A_147 : vector<16xf32>
      %xor3A_149 = arith.constant 2 : i32
      %xor3A_150 = vector.broadcast %xor3A_149 : i32 to vector<16xi32>
      %xor3A_151 = arith.xori %iota3A, %xor3A_150 : vector<16xi32>
      %lt3A_152 = arith.constant 0 : i32
      %lt3A_153 = vector.broadcast %lt3A_152 : i32 to vector<16xi32>
      %lt3A_154 = arith.cmpi slt, %xor3A_151, %lt3A_153 : vector<16xi32>
      %add3A_155 = arith.constant 16 : i32
      %add3A_156 = vector.broadcast %add3A_155 : i32 to vector<16xi32>
      %add3A_157 = arith.addi %xor3A_151, %add3A_156 : vector<16xi32>
      %select_n3A_158 = arith.select %lt3A_154, %add3A_157, %xor3A_151 : vector<16xi1>, vector<16xi32>
      %broadcast_in_dim3A_159 = vector.shape_cast %select_n3A_158 : vector<16xi32> to vector<16x1xi32>
      %gather3A_160 = vector.shape_cast %broadcast_in_dim3A_159 : vector<16x1xi32> to vector<16xi32>
      %gather3A_161 = tpu.dynamic_gather %max3A_148[%gather3A_160] in [0] : vector<16xf32>, vector<16xi32> -> vector<16xf32>
      %max3A_162 = arith.maximumf %max3A_148, %gather3A_161 : vector<16xf32>
      %xor3A_163 = arith.constant 1 : i32
      %xor3A_164 = vector.broadcast %xor3A_163 : i32 to vector<16xi32>
      %xor3A_165 = arith.xori %iota3A, %xor3A_164 : vector<16xi32>
      %lt3A_166 = arith.constant 0 : i32
      %lt3A_167 = vector.broadcast %lt3A_166 : i32 to vector<16xi32>
      %lt3A_168 = arith.cmpi slt, %xor3A_165, %lt3A_167 : vector<16xi32>
      %add3A_169 = arith.constant 16 : i32
      %add3A_170 = vector.broadcast %add3A_169 : i32 to vector<16xi32>
      %add3A_171 = arith.addi %xor3A_165, %add3A_170 : vector<16xi32>
      %select_n3A_172 = arith.select %lt3A_168, %add3A_171, %xor3A_165 : vector<16xi1>, vector<16xi32>
      %broadcast_in_dim3A_173 = vector.shape_cast %select_n3A_172 : vector<16xi32> to vector<16x1xi32>
      %gather3A_174 = vector.shape_cast %broadcast_in_dim3A_173 : vector<16x1xi32> to vector<16xi32>
      %gather3A_175 = tpu.dynamic_gather %max3A_162[%gather3A_174] in [0] : vector<16xf32>, vector<16xi32> -> vector<16xf32>
      %max3A_176 = arith.maximumf %max3A_162, %gather3A_175 : vector<16xf32>
      %eq3A = arith.cmpf oeq, %div3A, %max3A_176 : vector<16xf32>
      %jit3A = arith.constant 16 : i32
      %broadcast_in_dim3A_177 = vector.broadcast %jit3A : i32 to vector<16xi32>
      %select_n3A_178 = arith.select %eq3A, %iota3A, %broadcast_in_dim3A_177 : vector<16xi1>, vector<16xi32>
      %xor3A_179 = arith.constant 8 : i32
      %xor3A_180 = vector.broadcast %xor3A_179 : i32 to vector<16xi32>
      %xor3A_181 = arith.xori %iota3A, %xor3A_180 : vector<16xi32>
      %lt3A_182 = arith.constant 0 : i32
      %lt3A_183 = vector.broadcast %lt3A_182 : i32 to vector<16xi32>
      %lt3A_184 = arith.cmpi slt, %xor3A_181, %lt3A_183 : vector<16xi32>
      %add3A_185 = arith.constant 16 : i32
      %add3A_186 = vector.broadcast %add3A_185 : i32 to vector<16xi32>
      %add3A_187 = arith.addi %xor3A_181, %add3A_186 : vector<16xi32>
      %select_n3A_188 = arith.select %lt3A_184, %add3A_187, %xor3A_181 : vector<16xi1>, vector<16xi32>
      %broadcast_in_dim3A_189 = vector.shape_cast %select_n3A_188 : vector<16xi32> to vector<16x1xi32>
      %gather3A_190 = vector.shape_cast %broadcast_in_dim3A_189 : vector<16x1xi32> to vector<16xi32>
      %gather3A_191 = tpu.dynamic_gather %select_n3A_178[%gather3A_190] in [0] : vector<16xi32>, vector<16xi32> -> vector<16xi32>
      %min3A = arith.minsi %select_n3A_178, %gather3A_191 : vector<16xi32>
      %xor3A_192 = arith.constant 4 : i32
      %xor3A_193 = vector.broadcast %xor3A_192 : i32 to vector<16xi32>
      %xor3A_194 = arith.xori %iota3A, %xor3A_193 : vector<16xi32>
      %lt3A_195 = arith.constant 0 : i32
      %lt3A_196 = vector.broadcast %lt3A_195 : i32 to vector<16xi32>
      %lt3A_197 = arith.cmpi slt, %xor3A_194, %lt3A_196 : vector<16xi32>
      %add3A_198 = arith.constant 16 : i32
      %add3A_199 = vector.broadcast %add3A_198 : i32 to vector<16xi32>
      %add3A_200 = arith.addi %xor3A_194, %add3A_199 : vector<16xi32>
      %select_n3A_201 = arith.select %lt3A_197, %add3A_200, %xor3A_194 : vector<16xi1>, vector<16xi32>
      %broadcast_in_dim3A_202 = vector.shape_cast %select_n3A_201 : vector<16xi32> to vector<16x1xi32>
      %gather3A_203 = vector.shape_cast %broadcast_in_dim3A_202 : vector<16x1xi32> to vector<16xi32>
      %gather3A_204 = tpu.dynamic_gather %min3A[%gather3A_203] in [0] : vector<16xi32>, vector<16xi32> -> vector<16xi32>
      %min3A_205 = arith.minsi %min3A, %gather3A_204 : vector<16xi32>
      %xor3A_206 = arith.constant 2 : i32
      %xor3A_207 = vector.broadcast %xor3A_206 : i32 to vector<16xi32>
      %xor3A_208 = arith.xori %iota3A, %xor3A_207 : vector<16xi32>
      %lt3A_209 = arith.constant 0 : i32
      %lt3A_210 = vector.broadcast %lt3A_209 : i32 to vector<16xi32>
      %lt3A_211 = arith.cmpi slt, %xor3A_208, %lt3A_210 : vector<16xi32>
      %add3A_212 = arith.constant 16 : i32
      %add3A_213 = vector.broadcast %add3A_212 : i32 to vector<16xi32>
      %add3A_214 = arith.addi %xor3A_208, %add3A_213 : vector<16xi32>
      %select_n3A_215 = arith.select %lt3A_211, %add3A_214, %xor3A_208 : vector<16xi1>, vector<16xi32>
      %broadcast_in_dim3A_216 = vector.shape_cast %select_n3A_215 : vector<16xi32> to vector<16x1xi32>
      %gather3A_217 = vector.shape_cast %broadcast_in_dim3A_216 : vector<16x1xi32> to vector<16xi32>
      %gather3A_218 = tpu.dynamic_gather %min3A_205[%gather3A_217] in [0] : vector<16xi32>, vector<16xi32> -> vector<16xi32>
      %min3A_219 = arith.minsi %min3A_205, %gather3A_218 : vector<16xi32>
      %xor3A_220 = arith.constant 1 : i32
      %xor3A_221 = vector.broadcast %xor3A_220 : i32 to vector<16xi32>
      %xor3A_222 = arith.xori %iota3A, %xor3A_221 : vector<16xi32>
      %lt3A_223 = arith.constant 0 : i32
      %lt3A_224 = vector.broadcast %lt3A_223 : i32 to vector<16xi32>
      %lt3A_225 = arith.cmpi slt, %xor3A_222, %lt3A_224 : vector<16xi32>
      %add3A_226 = arith.constant 16 : i32
      %add3A_227 = vector.broadcast %add3A_226 : i32 to vector<16xi32>
      %add3A_228 = arith.addi %xor3A_222, %add3A_227 : vector<16xi32>
      %select_n3A_229 = arith.select %lt3A_225, %add3A_228, %xor3A_222 : vector<16xi1>, vector<16xi32>
      %broadcast_in_dim3A_230 = vector.shape_cast %select_n3A_229 : vector<16xi32> to vector<16x1xi32>
      %gather3A_231 = vector.shape_cast %broadcast_in_dim3A_230 : vector<16x1xi32> to vector<16xi32>
      %gather3A_232 = tpu.dynamic_gather %min3A_219[%gather3A_231] in [0] : vector<16xi32>, vector<16xi32> -> vector<16xi32>
      %min3A_233 = arith.minsi %min3A_219, %gather3A_232 : vector<16xi32>
      %eq3A_234 = arith.cmpi eq, %iota3A, %min3A_233 : vector<16xi32>
      %broadcast_in_dim3A_235 = vector.broadcast %scan3A : f32 to vector<16xf32>
      %select_n3A_236 = arith.select %eq3A_234, %broadcast_in_dim3A_235, %div3A : vector<16xi1>, vector<16xf32>
      %xor3A_237 = arith.constant 8 : i32
      %xor3A_238 = vector.broadcast %xor3A_237 : i32 to vector<16xi32>
      %xor3A_239 = arith.xori %iota3A, %xor3A_238 : vector<16xi32>
      %lt3A_240 = arith.constant 0 : i32
      %lt3A_241 = vector.broadcast %lt3A_240 : i32 to vector<16xi32>
      %lt3A_242 = arith.cmpi slt, %xor3A_239, %lt3A_241 : vector<16xi32>
      %add3A_243 = arith.constant 16 : i32
      %add3A_244 = vector.broadcast %add3A_243 : i32 to vector<16xi32>
      %add3A_245 = arith.addi %xor3A_239, %add3A_244 : vector<16xi32>
      %select_n3A_246 = arith.select %lt3A_242, %add3A_245, %xor3A_239 : vector<16xi1>, vector<16xi32>
      %broadcast_in_dim3A_247 = vector.shape_cast %select_n3A_246 : vector<16xi32> to vector<16x1xi32>
      %gather3A_248 = vector.shape_cast %broadcast_in_dim3A_247 : vector<16x1xi32> to vector<16xi32>
      %gather3A_249 = tpu.dynamic_gather %select_n3A_236[%gather3A_248] in [0] : vector<16xf32>, vector<16xi32> -> vector<16xf32>
      %max3A_250 = arith.maximumf %select_n3A_236, %gather3A_249 : vector<16xf32>
      %xor3A_251 = arith.constant 4 : i32
      %xor3A_252 = vector.broadcast %xor3A_251 : i32 to vector<16xi32>
      %xor3A_253 = arith.xori %iota3A, %xor3A_252 : vector<16xi32>
      %lt3A_254 = arith.constant 0 : i32
      %lt3A_255 = vector.broadcast %lt3A_254 : i32 to vector<16xi32>
      %lt3A_256 = arith.cmpi slt, %xor3A_253, %lt3A_255 : vector<16xi32>
      %add3A_257 = arith.constant 16 : i32
      %add3A_258 = vector.broadcast %add3A_257 : i32 to vector<16xi32>
      %add3A_259 = arith.addi %xor3A_253, %add3A_258 : vector<16xi32>
      %select_n3A_260 = arith.select %lt3A_256, %add3A_259, %xor3A_253 : vector<16xi1>, vector<16xi32>
      %broadcast_in_dim3A_261 = vector.shape_cast %select_n3A_260 : vector<16xi32> to vector<16x1xi32>
      %gather3A_262 = vector.shape_cast %broadcast_in_dim3A_261 : vector<16x1xi32> to vector<16xi32>
      %gather3A_263 = tpu.dynamic_gather %max3A_250[%gather3A_262] in [0] : vector<16xf32>, vector<16xi32> -> vector<16xf32>
      %max3A_264 = arith.maximumf %max3A_250, %gather3A_263 : vector<16xf32>
      %xor3A_265 = arith.constant 2 : i32
      %xor3A_266 = vector.broadcast %xor3A_265 : i32 to vector<16xi32>
      %xor3A_267 = arith.xori %iota3A, %xor3A_266 : vector<16xi32>
      %lt3A_268 = arith.constant 0 : i32
      %lt3A_269 = vector.broadcast %lt3A_268 : i32 to vector<16xi32>
      %lt3A_270 = arith.cmpi slt, %xor3A_267, %lt3A_269 : vector<16xi32>
      %add3A_271 = arith.constant 16 : i32
      %add3A_272 = vector.broadcast %add3A_271 : i32 to vector<16xi32>
      %add3A_273 = arith.addi %xor3A_267, %add3A_272 : vector<16xi32>
      %select_n3A_274 = arith.select %lt3A_270, %add3A_273, %xor3A_267 : vector<16xi1>, vector<16xi32>
      %broadcast_in_dim3A_275 = vector.shape_cast %select_n3A_274 : vector<16xi32> to vector<16x1xi32>
      %gather3A_276 = vector.shape_cast %broadcast_in_dim3A_275 : vector<16x1xi32> to vector<16xi32>
      %gather3A_277 = tpu.dynamic_gather %max3A_264[%gather3A_276] in [0] : vector<16xf32>, vector<16xi32> -> vector<16xf32>
      %max3A_278 = arith.maximumf %max3A_264, %gather3A_277 : vector<16xf32>
      %xor3A_279 = arith.constant 1 : i32
      %xor3A_280 = vector.broadcast %xor3A_279 : i32 to vector<16xi32>
      %xor3A_281 = arith.xori %iota3A, %xor3A_280 : vector<16xi32>
      %lt3A_282 = arith.constant 0 : i32
      %lt3A_283 = vector.broadcast %lt3A_282 : i32 to vector<16xi32>
      %lt3A_284 = arith.cmpi slt, %xor3A_281, %lt3A_283 : vector<16xi32>
      %add3A_285 = arith.constant 16 : i32
      %add3A_286 = vector.broadcast %add3A_285 : i32 to vector<16xi32>
      %add3A_287 = arith.addi %xor3A_281, %add3A_286 : vector<16xi32>
      %select_n3A_288 = arith.select %lt3A_284, %add3A_287, %xor3A_281 : vector<16xi1>, vector<16xi32>
      %broadcast_in_dim3A_289 = vector.shape_cast %select_n3A_288 : vector<16xi32> to vector<16x1xi32>
      %gather3A_290 = vector.shape_cast %broadcast_in_dim3A_289 : vector<16x1xi32> to vector<16xi32>
      %gather3A_291 = tpu.dynamic_gather %max3A_278[%gather3A_290] in [0] : vector<16xf32>, vector<16xi32> -> vector<16xf32>
      %max3A_292 = arith.maximumf %max3A_278, %gather3A_291 : vector<16xf32>
      %eq3A_293 = arith.cmpf oeq, %select_n3A_236, %max3A_292 : vector<16xf32>
      %jit3A_294 = arith.constant 16 : i32
      %broadcast_in_dim3A_295 = vector.broadcast %jit3A_294 : i32 to vector<16xi32>
      %select_n3A_296 = arith.select %eq3A_293, %iota3A, %broadcast_in_dim3A_295 : vector<16xi1>, vector<16xi32>
      %xor3A_297 = arith.constant 8 : i32
      %xor3A_298 = vector.broadcast %xor3A_297 : i32 to vector<16xi32>
      %xor3A_299 = arith.xori %iota3A, %xor3A_298 : vector<16xi32>
      %lt3A_300 = arith.constant 0 : i32
      %lt3A_301 = vector.broadcast %lt3A_300 : i32 to vector<16xi32>
      %lt3A_302 = arith.cmpi slt, %xor3A_299, %lt3A_301 : vector<16xi32>
      %add3A_303 = arith.constant 16 : i32
      %add3A_304 = vector.broadcast %add3A_303 : i32 to vector<16xi32>
      %add3A_305 = arith.addi %xor3A_299, %add3A_304 : vector<16xi32>
      %select_n3A_306 = arith.select %lt3A_302, %add3A_305, %xor3A_299 : vector<16xi1>, vector<16xi32>
      %broadcast_in_dim3A_307 = vector.shape_cast %select_n3A_306 : vector<16xi32> to vector<16x1xi32>
      %gather3A_308 = vector.shape_cast %broadcast_in_dim3A_307 : vector<16x1xi32> to vector<16xi32>
      %gather3A_309 = tpu.dynamic_gather %select_n3A_296[%gather3A_308] in [0] : vector<16xi32>, vector<16xi32> -> vector<16xi32>
      %min3A_310 = arith.minsi %select_n3A_296, %gather3A_309 : vector<16xi32>
      %xor3A_311 = arith.constant 4 : i32
      %xor3A_312 = vector.broadcast %xor3A_311 : i32 to vector<16xi32>
      %xor3A_313 = arith.xori %iota3A, %xor3A_312 : vector<16xi32>
      %lt3A_314 = arith.constant 0 : i32
      %lt3A_315 = vector.broadcast %lt3A_314 : i32 to vector<16xi32>
      %lt3A_316 = arith.cmpi slt, %xor3A_313, %lt3A_315 : vector<16xi32>
      %add3A_317 = arith.constant 16 : i32
      %add3A_318 = vector.broadcast %add3A_317 : i32 to vector<16xi32>
      %add3A_319 = arith.addi %xor3A_313, %add3A_318 : vector<16xi32>
      %select_n3A_320 = arith.select %lt3A_316, %add3A_319, %xor3A_313 : vector<16xi1>, vector<16xi32>
      %broadcast_in_dim3A_321 = vector.shape_cast %select_n3A_320 : vector<16xi32> to vector<16x1xi32>
      %gather3A_322 = vector.shape_cast %broadcast_in_dim3A_321 : vector<16x1xi32> to vector<16xi32>
      %gather3A_323 = tpu.dynamic_gather %min3A_310[%gather3A_322] in [0] : vector<16xi32>, vector<16xi32> -> vector<16xi32>
      %min3A_324 = arith.minsi %min3A_310, %gather3A_323 : vector<16xi32>
      %xor3A_325 = arith.constant 2 : i32
      %xor3A_326 = vector.broadcast %xor3A_325 : i32 to vector<16xi32>
      %xor3A_327 = arith.xori %iota3A, %xor3A_326 : vector<16xi32>
      %lt3A_328 = arith.constant 0 : i32
      %lt3A_329 = vector.broadcast %lt3A_328 : i32 to vector<16xi32>
      %lt3A_330 = arith.cmpi slt, %xor3A_327, %lt3A_329 : vector<16xi32>
      %add3A_331 = arith.constant 16 : i32
      %add3A_332 = vector.broadcast %add3A_331 : i32 to vector<16xi32>
      %add3A_333 = arith.addi %xor3A_327, %add3A_332 : vector<16xi32>
      %select_n3A_334 = arith.select %lt3A_330, %add3A_333, %xor3A_327 : vector<16xi1>, vector<16xi32>
      %broadcast_in_dim3A_335 = vector.shape_cast %select_n3A_334 : vector<16xi32> to vector<16x1xi32>
      %gather3A_336 = vector.shape_cast %broadcast_in_dim3A_335 : vector<16x1xi32> to vector<16xi32>
      %gather3A_337 = tpu.dynamic_gather %min3A_324[%gather3A_336] in [0] : vector<16xi32>, vector<16xi32> -> vector<16xi32>
      %min3A_338 = arith.minsi %min3A_324, %gather3A_337 : vector<16xi32>
      %xor3A_339 = arith.constant 1 : i32
      %xor3A_340 = vector.broadcast %xor3A_339 : i32 to vector<16xi32>
      %xor3A_341 = arith.xori %iota3A, %xor3A_340 : vector<16xi32>
      %lt3A_342 = arith.constant 0 : i32
      %lt3A_343 = vector.broadcast %lt3A_342 : i32 to vector<16xi32>
      %lt3A_344 = arith.cmpi slt, %xor3A_341, %lt3A_343 : vector<16xi32>
      %add3A_345 = arith.constant 16 : i32
      %add3A_346 = vector.broadcast %add3A_345 : i32 to vector<16xi32>
      %add3A_347 = arith.addi %xor3A_341, %add3A_346 : vector<16xi32>
      %select_n3A_348 = arith.select %lt3A_344, %add3A_347, %xor3A_341 : vector<16xi1>, vector<16xi32>
      %broadcast_in_dim3A_349 = vector.shape_cast %select_n3A_348 : vector<16xi32> to vector<16x1xi32>
      %gather3A_350 = vector.shape_cast %broadcast_in_dim3A_349 : vector<16x1xi32> to vector<16xi32>
      %gather3A_351 = tpu.dynamic_gather %min3A_338[%gather3A_350] in [0] : vector<16xi32>, vector<16xi32> -> vector<16xi32>
      %min3A_352 = arith.minsi %min3A_338, %gather3A_351 : vector<16xi32>
      %eq3A_353 = arith.cmpi eq, %iota3A, %min3A_233 : vector<16xi32>
      %jit3A_354 = arith.constant 0.000000e+00 : f32
      %broadcast_in_dim3A_355 = vector.broadcast %jit3A_354 : f32 to vector<16xf32>
      %select_n3A_356 = arith.select %eq3A_353, %max3A_176, %broadcast_in_dim3A_355 : vector<16xi1>, vector<16xf32>
      %eq3A_357 = arith.cmpi eq, %iota3A, %min3A_352 : vector<16xi32>
      %jit3A_358 = arith.constant 0.000000e+00 : f32
      %broadcast_in_dim3A_359 = vector.broadcast %jit3A_358 : f32 to vector<16xf32>
      %select_n3A_360 = arith.select %eq3A_357, %max3A_292, %broadcast_in_dim3A_359 : vector<16xi1>, vector<16xf32>
      %add3A_361 = arith.addf %select_n3A_356, %select_n3A_360 : vector<16xf32>
      %swap3A = arith.index_cast %scan3A_10 : i32 to index
      %swap3A_362 = arith.constant 0 : index
      %swap3A_363 = tpu.vector_load %arg5[%swap3A, %swap3A_362] {strides = array<i32>} : memref<128x16xf32, #tpu.memory_space<vmem>>, vector<1x16xf32>,
      %swap3A_364 = vector.shape_cast %swap3A_363 : vector<1x16xf32> to vector<16xf32>
      %swap3A_365 = vector.shape_cast %add3A_361 : vector<16xf32> to vector<1x16xf32>
      tpu.vector_store %arg5[%swap3A, %swap3A_362], %swap3A_365 {strides = array<i32>} : memref<128x16xf32, #tpu.memory_space<vmem>>, vector<1x16xf32>,
      %scan3A_366 = arith.constant 0 : i32
      scf.yield %scan3A_366 : i32
    }
    %scan3A_9 = arith.constant 128 : i32
    "tpu.region"() ({
      %run_scoped3A = tpu.sem_alloc : memref<!tpu.dma_semaphore, #tpu.memory_space<semaphore_mem>>
      %dma_start3A = arith.constant 0 : i32
      %dma_start3A_10 = tpu.memref_slice %arg3[%mul3A_2, %dma_start3A] : memref<4096x16xf32, #tpu.memory_space<hbm>> -> memref<128x16xf32, #tpu.memory_space<hbm>>
      %dma_start3A_11 = arith.constant 0 : i32
      %dma_start3A_12 = tpu.memref_slice %arg3[%mul3A_2, %dma_start3A_11] : memref<4096x16xf32, #tpu.memory_space<hbm>> -> memref<128x16xf32, #tpu.memory_space<hbm>>
      tpu.enqueue_dma source(%arg5 : memref<128x16xf32, #tpu.memory_space<vmem>>) target(%dma_start3A_12 : memref<128x16xf32, #tpu.memory_space<hbm>>) target_semaphore(%run_scoped3A : memref<!tpu.dma_semaphore, #tpu.memory_space<semaphore_mem>>)
      %dma_wait3A = arith.constant 0 : i32
      %dma_wait3A_13 = tpu.memref_slice %arg3[%mul3A_2, %dma_wait3A] : memref<4096x16xf32, #tpu.memory_space<hbm>> -> memref<128x16xf32, #tpu.memory_space<hbm>>
      %dma_wait3A_14 = arith.constant 0 : i32
      %dma_wait3A_15 = tpu.memref_slice %arg3[%mul3A_2, %dma_wait3A_14] : memref<4096x16xf32, #tpu.memory_space<hbm>> -> memref<128x16xf32, #tpu.memory_space<hbm>>
      tpu.wait_dma2 semaphore(%run_scoped3A : memref<!tpu.dma_semaphore, #tpu.memory_space<semaphore_mem>>) src(%arg5 : memref<128x16xf32, #tpu.memory_space<vmem>>) dst(%dma_wait3A_15 : memref<128x16xf32, #tpu.memory_space<hbm>>)
      tpu.yield
    }) : () -> ()
    return
  }
}

module attributes {stable_mosaic.version = 14 : i64} {
  func.func @_gate_logits_kernel(%arg0: i32, %arg1: memref<1024x768xf32, #tpu.memory_space<vmem>>, %arg2: memref<16x768xf32, #tpu.memory_space<vmem>>, %arg3: memref<1x16xf32, #tpu.memory_space<vmem>>, %arg4: memref<1024x16xf32, #tpu.memory_space<vmem>>) attributes {dimension_semantics = [#tpu.dimension_semantics<arbitrary>], iteration_bounds = array<i64: 4>, scalar_prefetch = 0 : i64, scratch_operands = 0 : i64, tpu.core_type = #tpu.core_type<tc>, window_params = [{transform_indices = @transform_0, window_bounds = array<i64: 1024, 768>}, {pipeline_mode = #tpu.pipeline_mode<synchronous>, transform_indices = @transform_1, window_bounds = array<i64: 16, 768>}, {pipeline_mode = #tpu.pipeline_mode<synchronous>, transform_indices = @transform_2, window_bounds = array<i64: 1, 16>}, {transform_indices = @transform_3, window_bounds = array<i64: 1024, 16>}]} {
    %get3A = arith.constant 0 : index
    %get3A_0 = arith.constant 0 : index
    %get3A_1 = vector.load %arg1[%get3A, %get3A_0] : memref<1024x768xf32, #tpu.memory_space<vmem>>, vector<1024x768xf32>
    %get3A_2 = arith.constant 0 : index
    %get3A_3 = arith.constant 0 : index
    %get3A_4 = vector.load %arg2[%get3A_2, %get3A_3] : memref<16x768xf32, #tpu.memory_space<vmem>>, vector<16x768xf32>
    %dot_general3A = arith.constant dense<0.000000e+00> : vector<1024x16xf32>
    %dot_general3A_5 = tpu.matmul %get3A_1, %get3A_4, %dot_general3A {dimension_numbers = #tpu.dot_dimension_numbers<[1], [1], [0], [0], [0, 0, 1, 0], [], []>, transpose_lhs_hint = false} : vector<1024x768xf32>, vector<16x768xf32>, vector<1024x16xf32> -> vector<1024x16xf32>
    %get3A_6 = arith.constant 0 : index
    %get3A_7 = arith.constant 0 : index
    %get3A_8 = vector.load %arg3[%get3A_6, %get3A_7] : memref<1x16xf32, #tpu.memory_space<vmem>>, vector<1x16xf32>
    %add3A = vector.broadcast %get3A_8 : vector<1x16xf32> to vector<1024x16xf32>
    %add3A_9 = arith.addf %dot_general3A_5, %add3A : vector<1024x16xf32>
    %swap3A = arith.constant 0 : index
    %swap3A_10 = arith.constant 0 : index
    %swap3A_11 = vector.load %arg4[%swap3A, %swap3A_10] : memref<1024x16xf32, #tpu.memory_space<vmem>>, vector<1024x16xf32>
    tpu.vector_store %arg4[%swap3A, %swap3A_10], %add3A_9 {strides = array<i32>} : memref<1024x16xf32, #tpu.memory_space<vmem>>, vector<1024x16xf32>,
    return
  }
  func.func @transform_0(%arg0: i32) -> (i32, i32) {
    %c0_i32 = arith.constant 0 : i32
    %c0_i32_0 = arith.constant 0 : i32
    return %arg0, %c0_i32 : i32, i32
  }
  func.func @transform_1(%arg0: i32) -> (i32, i32) {
    %c0_i32 = arith.constant 0 : i32
    %c0_i32_0 = arith.constant 0 : i32
    %c0_i32_1 = arith.constant 0 : i32
    return %c0_i32, %c0_i32_0 : i32, i32
  }
  func.func @transform_2(%arg0: i32) -> (i32, i32) {
    %c0_i32 = arith.constant 0 : i32
    %c0_i32_0 = arith.constant 0 : i32
    %c0_i32_1 = arith.constant 0 : i32
    return %c0_i32, %c0_i32_0 : i32, i32
  }
  func.func @transform_3(%arg0: i32) -> (i32, i32) {
    %c0_i32 = arith.constant 0 : i32
    %c0_i32_0 = arith.constant 0 : i32
    return %arg0, %c0_i32 : i32, i32
  }
}

module attributes {stable_mosaic.version = 14 : i64} {
  func.func @_moe_block_kernel(%arg0: i32, %arg1: memref<512x768xf32, #tpu.memory_space<vmem>>, %arg2: memref<512x16xf32, #tpu.memory_space<vmem>>, %arg3: memref<16x256x768xf32, #tpu.memory_space<vmem>>, %arg4: memref<16x256xf32, #tpu.memory_space<vmem>>, %arg5: memref<512x256xf32, #tpu.memory_space<vmem>>) attributes {dimension_semantics = [#tpu.dimension_semantics<arbitrary>], iteration_bounds = array<i64: 8>, scalar_prefetch = 0 : i64, scratch_operands = 0 : i64, tpu.core_type = #tpu.core_type<tc>, window_params = [{transform_indices = @transform_0, window_bounds = array<i64: 512, 768>}, {transform_indices = @transform_1, window_bounds = array<i64: 512, 16>}, {pipeline_mode = #tpu.pipeline_mode<synchronous>, transform_indices = @transform_2, window_bounds = array<i64: 16, 256, 768>}, {pipeline_mode = #tpu.pipeline_mode<synchronous>, transform_indices = @transform_3, window_bounds = array<i64: 16, 256>}, {transform_indices = @transform_4, window_bounds = array<i64: 512, 256>}]} {
    %get3A = arith.constant 0 : index
    %get3A_0 = arith.constant 0 : index
    %get3A_1 = vector.load %arg1[%get3A, %get3A_0] : memref<512x768xf32, #tpu.memory_space<vmem>>, vector<512x768xf32>
    %get3A_2 = arith.constant 0 : index
    %get3A_3 = arith.constant 0 : index
    %get3A_4 = vector.load %arg2[%get3A_2, %get3A_3] : memref<512x16xf32, #tpu.memory_space<vmem>>, vector<512x16xf32>
    %broadcast_in_dim3A = arith.constant 0.000000e+00 : f32
    %broadcast_in_dim3A_5 = vector.broadcast %broadcast_in_dim3A : f32 to vector<512x256xf32>
    %get3A_6 = arith.constant 0 : index
    %get3A_7 = arith.constant 0 : index
    %get3A_8 = arith.constant 0 : index
    %get3A_9 = vector.load %arg3[%get3A_6, %get3A_7, %get3A_8] : memref<16x256x768xf32, #tpu.memory_space<vmem>>, vector<1x256x768xf32>
    %get3A_10 = vector.shape_cast %get3A_9 : vector<1x256x768xf32> to vector<256x768xf32>
    %dot_general3A = arith.constant dense<0.000000e+00> : vector<512x256xf32>
    %dot_general3A_11 = tpu.matmul %get3A_1, %get3A_10, %dot_general3A {dimension_numbers = #tpu.dot_dimension_numbers<[1], [1], [0], [0], [0, 0, 1, 0], [], []>, transpose_lhs_hint = false} : vector<512x768xf32>, vector<256x768xf32>, vector<512x256xf32> -> vector<512x256xf32>
    %slice3A = vector.extract_strided_slice %get3A_4 {offsets = [0, 0], sizes = [512, 1], strides = [1, 1]} : vector<512x16xf32> to vector<512x1xf32>
    %squeeze3A = vector.shape_cast %slice3A : vector<512x1xf32> to vector<512xf32>
    %broadcast_in_dim3A_12 = vector.shape_cast %squeeze3A : vector<512xf32> to vector<512x1xf32>
    %get3A_13 = arith.constant 0 : index
    %get3A_14 = arith.constant 0 : index
    %get3A_15 = vector.load %arg4[%get3A_13, %get3A_14] : memref<16x256xf32, #tpu.memory_space<vmem>>, vector<1x256xf32>
    %get3A_16 = vector.shape_cast %get3A_15 : vector<1x256xf32> to vector<256xf32>
    %broadcast_in_dim3A_17 = vector.shape_cast %get3A_16 : vector<256xf32> to vector<1x256xf32>
    %add3A = vector.broadcast %broadcast_in_dim3A_17 : vector<1x256xf32> to vector<512x256xf32>
    %add3A_18 = arith.addf %dot_general3A_11, %add3A : vector<512x256xf32>
    %mul3A = vector.broadcast %broadcast_in_dim3A_12 : vector<512x1xf32> to vector<512x256xf32>
    %mul3A_19 = arith.mulf %mul3A, %add3A_18 : vector<512x256xf32>
    %add3A_20 = arith.addf %broadcast_in_dim3A_5, %mul3A_19 : vector<512x256xf32>
    %get3A_21 = arith.constant 1 : index
    %get3A_22 = arith.constant 0 : index
    %get3A_23 = arith.constant 0 : index
    %get3A_24 = vector.load %arg3[%get3A_21, %get3A_22, %get3A_23] : memref<16x256x768xf32, #tpu.memory_space<vmem>>, vector<1x256x768xf32>
    %get3A_25 = vector.shape_cast %get3A_24 : vector<1x256x768xf32> to vector<256x768xf32>
    %dot_general3A_26 = arith.constant dense<0.000000e+00> : vector<512x256xf32>
    %dot_general3A_27 = tpu.matmul %get3A_1, %get3A_25, %dot_general3A_26 {dimension_numbers = #tpu.dot_dimension_numbers<[1], [1], [0], [0], [0, 0, 1, 0], [], []>, transpose_lhs_hint = false} : vector<512x768xf32>, vector<256x768xf32>, vector<512x256xf32> -> vector<512x256xf32>
    %slice3A_28 = vector.extract_strided_slice %get3A_4 {offsets = [0, 1], sizes = [512, 1], strides = [1, 1]} : vector<512x16xf32> to vector<512x1xf32>
    %squeeze3A_29 = vector.shape_cast %slice3A_28 : vector<512x1xf32> to vector<512xf32>
    %broadcast_in_dim3A_30 = vector.shape_cast %squeeze3A_29 : vector<512xf32> to vector<512x1xf32>
    %get3A_31 = arith.constant 1 : index
    %get3A_32 = arith.constant 0 : index
    %get3A_33 = vector.load %arg4[%get3A_31, %get3A_32] : memref<16x256xf32, #tpu.memory_space<vmem>>, vector<1x256xf32>
    %get3A_34 = vector.shape_cast %get3A_33 : vector<1x256xf32> to vector<256xf32>
    %broadcast_in_dim3A_35 = vector.shape_cast %get3A_34 : vector<256xf32> to vector<1x256xf32>
    %add3A_36 = vector.broadcast %broadcast_in_dim3A_35 : vector<1x256xf32> to vector<512x256xf32>
    %add3A_37 = arith.addf %dot_general3A_27, %add3A_36 : vector<512x256xf32>
    %mul3A_38 = vector.broadcast %broadcast_in_dim3A_30 : vector<512x1xf32> to vector<512x256xf32>
    %mul3A_39 = arith.mulf %mul3A_38, %add3A_37 : vector<512x256xf32>
    %add3A_40 = arith.addf %add3A_20, %mul3A_39 : vector<512x256xf32>
    %get3A_41 = arith.constant 2 : index
    %get3A_42 = arith.constant 0 : index
    %get3A_43 = arith.constant 0 : index
    %get3A_44 = vector.load %arg3[%get3A_41, %get3A_42, %get3A_43] : memref<16x256x768xf32, #tpu.memory_space<vmem>>, vector<1x256x768xf32>
    %get3A_45 = vector.shape_cast %get3A_44 : vector<1x256x768xf32> to vector<256x768xf32>
    %dot_general3A_46 = arith.constant dense<0.000000e+00> : vector<512x256xf32>
    %dot_general3A_47 = tpu.matmul %get3A_1, %get3A_45, %dot_general3A_46 {dimension_numbers = #tpu.dot_dimension_numbers<[1], [1], [0], [0], [0, 0, 1, 0], [], []>, transpose_lhs_hint = false} : vector<512x768xf32>, vector<256x768xf32>, vector<512x256xf32> -> vector<512x256xf32>
    %slice3A_48 = vector.extract_strided_slice %get3A_4 {offsets = [0, 2], sizes = [512, 1], strides = [1, 1]} : vector<512x16xf32> to vector<512x1xf32>
    %squeeze3A_49 = vector.shape_cast %slice3A_48 : vector<512x1xf32> to vector<512xf32>
    %broadcast_in_dim3A_50 = vector.shape_cast %squeeze3A_49 : vector<512xf32> to vector<512x1xf32>
    %get3A_51 = arith.constant 2 : index
    %get3A_52 = arith.constant 0 : index
    %get3A_53 = vector.load %arg4[%get3A_51, %get3A_52] : memref<16x256xf32, #tpu.memory_space<vmem>>, vector<1x256xf32>
    %get3A_54 = vector.shape_cast %get3A_53 : vector<1x256xf32> to vector<256xf32>
    %broadcast_in_dim3A_55 = vector.shape_cast %get3A_54 : vector<256xf32> to vector<1x256xf32>
    %add3A_56 = vector.broadcast %broadcast_in_dim3A_55 : vector<1x256xf32> to vector<512x256xf32>
    %add3A_57 = arith.addf %dot_general3A_47, %add3A_56 : vector<512x256xf32>
    %mul3A_58 = vector.broadcast %broadcast_in_dim3A_50 : vector<512x1xf32> to vector<512x256xf32>
    %mul3A_59 = arith.mulf %mul3A_58, %add3A_57 : vector<512x256xf32>
    %add3A_60 = arith.addf %add3A_40, %mul3A_59 : vector<512x256xf32>
    %get3A_61 = arith.constant 3 : index
    %get3A_62 = arith.constant 0 : index
    %get3A_63 = arith.constant 0 : index
    %get3A_64 = vector.load %arg3[%get3A_61, %get3A_62, %get3A_63] : memref<16x256x768xf32, #tpu.memory_space<vmem>>, vector<1x256x768xf32>
    %get3A_65 = vector.shape_cast %get3A_64 : vector<1x256x768xf32> to vector<256x768xf32>
    %dot_general3A_66 = arith.constant dense<0.000000e+00> : vector<512x256xf32>
    %dot_general3A_67 = tpu.matmul %get3A_1, %get3A_65, %dot_general3A_66 {dimension_numbers = #tpu.dot_dimension_numbers<[1], [1], [0], [0], [0, 0, 1, 0], [], []>, transpose_lhs_hint = false} : vector<512x768xf32>, vector<256x768xf32>, vector<512x256xf32> -> vector<512x256xf32>
    %slice3A_68 = vector.extract_strided_slice %get3A_4 {offsets = [0, 3], sizes = [512, 1], strides = [1, 1]} : vector<512x16xf32> to vector<512x1xf32>
    %squeeze3A_69 = vector.shape_cast %slice3A_68 : vector<512x1xf32> to vector<512xf32>
    %broadcast_in_dim3A_70 = vector.shape_cast %squeeze3A_69 : vector<512xf32> to vector<512x1xf32>
    %get3A_71 = arith.constant 3 : index
    %get3A_72 = arith.constant 0 : index
    %get3A_73 = vector.load %arg4[%get3A_71, %get3A_72] : memref<16x256xf32, #tpu.memory_space<vmem>>, vector<1x256xf32>
    %get3A_74 = vector.shape_cast %get3A_73 : vector<1x256xf32> to vector<256xf32>
    %broadcast_in_dim3A_75 = vector.shape_cast %get3A_74 : vector<256xf32> to vector<1x256xf32>
    %add3A_76 = vector.broadcast %broadcast_in_dim3A_75 : vector<1x256xf32> to vector<512x256xf32>
    %add3A_77 = arith.addf %dot_general3A_67, %add3A_76 : vector<512x256xf32>
    %mul3A_78 = vector.broadcast %broadcast_in_dim3A_70 : vector<512x1xf32> to vector<512x256xf32>
    %mul3A_79 = arith.mulf %mul3A_78, %add3A_77 : vector<512x256xf32>
    %add3A_80 = arith.addf %add3A_60, %mul3A_79 : vector<512x256xf32>
    %get3A_81 = arith.constant 4 : index
    %get3A_82 = arith.constant 0 : index
    %get3A_83 = arith.constant 0 : index
    %get3A_84 = vector.load %arg3[%get3A_81, %get3A_82, %get3A_83] : memref<16x256x768xf32, #tpu.memory_space<vmem>>, vector<1x256x768xf32>
    %get3A_85 = vector.shape_cast %get3A_84 : vector<1x256x768xf32> to vector<256x768xf32>
    %dot_general3A_86 = arith.constant dense<0.000000e+00> : vector<512x256xf32>
    %dot_general3A_87 = tpu.matmul %get3A_1, %get3A_85, %dot_general3A_86 {dimension_numbers = #tpu.dot_dimension_numbers<[1], [1], [0], [0], [0, 0, 1, 0], [], []>, transpose_lhs_hint = false} : vector<512x768xf32>, vector<256x768xf32>, vector<512x256xf32> -> vector<512x256xf32>
    %slice3A_88 = vector.extract_strided_slice %get3A_4 {offsets = [0, 4], sizes = [512, 1], strides = [1, 1]} : vector<512x16xf32> to vector<512x1xf32>
    %squeeze3A_89 = vector.shape_cast %slice3A_88 : vector<512x1xf32> to vector<512xf32>
    %broadcast_in_dim3A_90 = vector.shape_cast %squeeze3A_89 : vector<512xf32> to vector<512x1xf32>
    %get3A_91 = arith.constant 4 : index
    %get3A_92 = arith.constant 0 : index
    %get3A_93 = vector.load %arg4[%get3A_91, %get3A_92] : memref<16x256xf32, #tpu.memory_space<vmem>>, vector<1x256xf32>
    %get3A_94 = vector.shape_cast %get3A_93 : vector<1x256xf32> to vector<256xf32>
    %broadcast_in_dim3A_95 = vector.shape_cast %get3A_94 : vector<256xf32> to vector<1x256xf32>
    %add3A_96 = vector.broadcast %broadcast_in_dim3A_95 : vector<1x256xf32> to vector<512x256xf32>
    %add3A_97 = arith.addf %dot_general3A_87, %add3A_96 : vector<512x256xf32>
    %mul3A_98 = vector.broadcast %broadcast_in_dim3A_90 : vector<512x1xf32> to vector<512x256xf32>
    %mul3A_99 = arith.mulf %mul3A_98, %add3A_97 : vector<512x256xf32>
    %add3A_100 = arith.addf %add3A_80, %mul3A_99 : vector<512x256xf32>
    %get3A_101 = arith.constant 5 : index
    %get3A_102 = arith.constant 0 : index
    %get3A_103 = arith.constant 0 : index
    %get3A_104 = vector.load %arg3[%get3A_101, %get3A_102, %get3A_103] : memref<16x256x768xf32, #tpu.memory_space<vmem>>, vector<1x256x768xf32>
    %get3A_105 = vector.shape_cast %get3A_104 : vector<1x256x768xf32> to vector<256x768xf32>
    %dot_general3A_106 = arith.constant dense<0.000000e+00> : vector<512x256xf32>
    %dot_general3A_107 = tpu.matmul %get3A_1, %get3A_105, %dot_general3A_106 {dimension_numbers = #tpu.dot_dimension_numbers<[1], [1], [0], [0], [0, 0, 1, 0], [], []>, transpose_lhs_hint = false} : vector<512x768xf32>, vector<256x768xf32>, vector<512x256xf32> -> vector<512x256xf32>
    %slice3A_108 = vector.extract_strided_slice %get3A_4 {offsets = [0, 5], sizes = [512, 1], strides = [1, 1]} : vector<512x16xf32> to vector<512x1xf32>
    %squeeze3A_109 = vector.shape_cast %slice3A_108 : vector<512x1xf32> to vector<512xf32>
    %broadcast_in_dim3A_110 = vector.shape_cast %squeeze3A_109 : vector<512xf32> to vector<512x1xf32>
    %get3A_111 = arith.constant 5 : index
    %get3A_112 = arith.constant 0 : index
    %get3A_113 = vector.load %arg4[%get3A_111, %get3A_112] : memref<16x256xf32, #tpu.memory_space<vmem>>, vector<1x256xf32>
    %get3A_114 = vector.shape_cast %get3A_113 : vector<1x256xf32> to vector<256xf32>
    %broadcast_in_dim3A_115 = vector.shape_cast %get3A_114 : vector<256xf32> to vector<1x256xf32>
    %add3A_116 = vector.broadcast %broadcast_in_dim3A_115 : vector<1x256xf32> to vector<512x256xf32>
    %add3A_117 = arith.addf %dot_general3A_107, %add3A_116 : vector<512x256xf32>
    %mul3A_118 = vector.broadcast %broadcast_in_dim3A_110 : vector<512x1xf32> to vector<512x256xf32>
    %mul3A_119 = arith.mulf %mul3A_118, %add3A_117 : vector<512x256xf32>
    %add3A_120 = arith.addf %add3A_100, %mul3A_119 : vector<512x256xf32>
    %get3A_121 = arith.constant 6 : index
    %get3A_122 = arith.constant 0 : index
    %get3A_123 = arith.constant 0 : index
    %get3A_124 = vector.load %arg3[%get3A_121, %get3A_122, %get3A_123] : memref<16x256x768xf32, #tpu.memory_space<vmem>>, vector<1x256x768xf32>
    %get3A_125 = vector.shape_cast %get3A_124 : vector<1x256x768xf32> to vector<256x768xf32>
    %dot_general3A_126 = arith.constant dense<0.000000e+00> : vector<512x256xf32>
    %dot_general3A_127 = tpu.matmul %get3A_1, %get3A_125, %dot_general3A_126 {dimension_numbers = #tpu.dot_dimension_numbers<[1], [1], [0], [0], [0, 0, 1, 0], [], []>, transpose_lhs_hint = false} : vector<512x768xf32>, vector<256x768xf32>, vector<512x256xf32> -> vector<512x256xf32>
    %slice3A_128 = vector.extract_strided_slice %get3A_4 {offsets = [0, 6], sizes = [512, 1], strides = [1, 1]} : vector<512x16xf32> to vector<512x1xf32>
    %squeeze3A_129 = vector.shape_cast %slice3A_128 : vector<512x1xf32> to vector<512xf32>
    %broadcast_in_dim3A_130 = vector.shape_cast %squeeze3A_129 : vector<512xf32> to vector<512x1xf32>
    %get3A_131 = arith.constant 6 : index
    %get3A_132 = arith.constant 0 : index
    %get3A_133 = vector.load %arg4[%get3A_131, %get3A_132] : memref<16x256xf32, #tpu.memory_space<vmem>>, vector<1x256xf32>
    %get3A_134 = vector.shape_cast %get3A_133 : vector<1x256xf32> to vector<256xf32>
    %broadcast_in_dim3A_135 = vector.shape_cast %get3A_134 : vector<256xf32> to vector<1x256xf32>
    %add3A_136 = vector.broadcast %broadcast_in_dim3A_135 : vector<1x256xf32> to vector<512x256xf32>
    %add3A_137 = arith.addf %dot_general3A_127, %add3A_136 : vector<512x256xf32>
    %mul3A_138 = vector.broadcast %broadcast_in_dim3A_130 : vector<512x1xf32> to vector<512x256xf32>
    %mul3A_139 = arith.mulf %mul3A_138, %add3A_137 : vector<512x256xf32>
    %add3A_140 = arith.addf %add3A_120, %mul3A_139 : vector<512x256xf32>
    %get3A_141 = arith.constant 7 : index
    %get3A_142 = arith.constant 0 : index
    %get3A_143 = arith.constant 0 : index
    %get3A_144 = vector.load %arg3[%get3A_141, %get3A_142, %get3A_143] : memref<16x256x768xf32, #tpu.memory_space<vmem>>, vector<1x256x768xf32>
    %get3A_145 = vector.shape_cast %get3A_144 : vector<1x256x768xf32> to vector<256x768xf32>
    %dot_general3A_146 = arith.constant dense<0.000000e+00> : vector<512x256xf32>
    %dot_general3A_147 = tpu.matmul %get3A_1, %get3A_145, %dot_general3A_146 {dimension_numbers = #tpu.dot_dimension_numbers<[1], [1], [0], [0], [0, 0, 1, 0], [], []>, transpose_lhs_hint = false} : vector<512x768xf32>, vector<256x768xf32>, vector<512x256xf32> -> vector<512x256xf32>
    %slice3A_148 = vector.extract_strided_slice %get3A_4 {offsets = [0, 7], sizes = [512, 1], strides = [1, 1]} : vector<512x16xf32> to vector<512x1xf32>
    %squeeze3A_149 = vector.shape_cast %slice3A_148 : vector<512x1xf32> to vector<512xf32>
    %broadcast_in_dim3A_150 = vector.shape_cast %squeeze3A_149 : vector<512xf32> to vector<512x1xf32>
    %get3A_151 = arith.constant 7 : index
    %get3A_152 = arith.constant 0 : index
    %get3A_153 = vector.load %arg4[%get3A_151, %get3A_152] : memref<16x256xf32, #tpu.memory_space<vmem>>, vector<1x256xf32>
    %get3A_154 = vector.shape_cast %get3A_153 : vector<1x256xf32> to vector<256xf32>
    %broadcast_in_dim3A_155 = vector.shape_cast %get3A_154 : vector<256xf32> to vector<1x256xf32>
    %add3A_156 = vector.broadcast %broadcast_in_dim3A_155 : vector<1x256xf32> to vector<512x256xf32>
    %add3A_157 = arith.addf %dot_general3A_147, %add3A_156 : vector<512x256xf32>
    %mul3A_158 = vector.broadcast %broadcast_in_dim3A_150 : vector<512x1xf32> to vector<512x256xf32>
    %mul3A_159 = arith.mulf %mul3A_158, %add3A_157 : vector<512x256xf32>
    %add3A_160 = arith.addf %add3A_140, %mul3A_159 : vector<512x256xf32>
    %get3A_161 = arith.constant 8 : index
    %get3A_162 = arith.constant 0 : index
    %get3A_163 = arith.constant 0 : index
    %get3A_164 = vector.load %arg3[%get3A_161, %get3A_162, %get3A_163] : memref<16x256x768xf32, #tpu.memory_space<vmem>>, vector<1x256x768xf32>
    %get3A_165 = vector.shape_cast %get3A_164 : vector<1x256x768xf32> to vector<256x768xf32>
    %dot_general3A_166 = arith.constant dense<0.000000e+00> : vector<512x256xf32>
    %dot_general3A_167 = tpu.matmul %get3A_1, %get3A_165, %dot_general3A_166 {dimension_numbers = #tpu.dot_dimension_numbers<[1], [1], [0], [0], [0, 0, 1, 0], [], []>, transpose_lhs_hint = false} : vector<512x768xf32>, vector<256x768xf32>, vector<512x256xf32> -> vector<512x256xf32>
    %slice3A_168 = vector.extract_strided_slice %get3A_4 {offsets = [0, 8], sizes = [512, 1], strides = [1, 1]} : vector<512x16xf32> to vector<512x1xf32>
    %squeeze3A_169 = vector.shape_cast %slice3A_168 : vector<512x1xf32> to vector<512xf32>
    %broadcast_in_dim3A_170 = vector.shape_cast %squeeze3A_169 : vector<512xf32> to vector<512x1xf32>
    %get3A_171 = arith.constant 8 : index
    %get3A_172 = arith.constant 0 : index
    %get3A_173 = vector.load %arg4[%get3A_171, %get3A_172] : memref<16x256xf32, #tpu.memory_space<vmem>>, vector<1x256xf32>
    %get3A_174 = vector.shape_cast %get3A_173 : vector<1x256xf32> to vector<256xf32>
    %broadcast_in_dim3A_175 = vector.shape_cast %get3A_174 : vector<256xf32> to vector<1x256xf32>
    %add3A_176 = vector.broadcast %broadcast_in_dim3A_175 : vector<1x256xf32> to vector<512x256xf32>
    %add3A_177 = arith.addf %dot_general3A_167, %add3A_176 : vector<512x256xf32>
    %mul3A_178 = vector.broadcast %broadcast_in_dim3A_170 : vector<512x1xf32> to vector<512x256xf32>
    %mul3A_179 = arith.mulf %mul3A_178, %add3A_177 : vector<512x256xf32>
    %add3A_180 = arith.addf %add3A_160, %mul3A_179 : vector<512x256xf32>
    %get3A_181 = arith.constant 9 : index
    %get3A_182 = arith.constant 0 : index
    %get3A_183 = arith.constant 0 : index
    %get3A_184 = vector.load %arg3[%get3A_181, %get3A_182, %get3A_183] : memref<16x256x768xf32, #tpu.memory_space<vmem>>, vector<1x256x768xf32>
    %get3A_185 = vector.shape_cast %get3A_184 : vector<1x256x768xf32> to vector<256x768xf32>
    %dot_general3A_186 = arith.constant dense<0.000000e+00> : vector<512x256xf32>
    %dot_general3A_187 = tpu.matmul %get3A_1, %get3A_185, %dot_general3A_186 {dimension_numbers = #tpu.dot_dimension_numbers<[1], [1], [0], [0], [0, 0, 1, 0], [], []>, transpose_lhs_hint = false} : vector<512x768xf32>, vector<256x768xf32>, vector<512x256xf32> -> vector<512x256xf32>
    %slice3A_188 = vector.extract_strided_slice %get3A_4 {offsets = [0, 9], sizes = [512, 1], strides = [1, 1]} : vector<512x16xf32> to vector<512x1xf32>
    %squeeze3A_189 = vector.shape_cast %slice3A_188 : vector<512x1xf32> to vector<512xf32>
    %broadcast_in_dim3A_190 = vector.shape_cast %squeeze3A_189 : vector<512xf32> to vector<512x1xf32>
    %get3A_191 = arith.constant 9 : index
    %get3A_192 = arith.constant 0 : index
    %get3A_193 = vector.load %arg4[%get3A_191, %get3A_192] : memref<16x256xf32, #tpu.memory_space<vmem>>, vector<1x256xf32>
    %get3A_194 = vector.shape_cast %get3A_193 : vector<1x256xf32> to vector<256xf32>
    %broadcast_in_dim3A_195 = vector.shape_cast %get3A_194 : vector<256xf32> to vector<1x256xf32>
    %add3A_196 = vector.broadcast %broadcast_in_dim3A_195 : vector<1x256xf32> to vector<512x256xf32>
    %add3A_197 = arith.addf %dot_general3A_187, %add3A_196 : vector<512x256xf32>
    %mul3A_198 = vector.broadcast %broadcast_in_dim3A_190 : vector<512x1xf32> to vector<512x256xf32>
    %mul3A_199 = arith.mulf %mul3A_198, %add3A_197 : vector<512x256xf32>
    %add3A_200 = arith.addf %add3A_180, %mul3A_199 : vector<512x256xf32>
    %get3A_201 = arith.constant 10 : index
    %get3A_202 = arith.constant 0 : index
    %get3A_203 = arith.constant 0 : index
    %get3A_204 = vector.load %arg3[%get3A_201, %get3A_202, %get3A_203] : memref<16x256x768xf32, #tpu.memory_space<vmem>>, vector<1x256x768xf32>
    %get3A_205 = vector.shape_cast %get3A_204 : vector<1x256x768xf32> to vector<256x768xf32>
    %dot_general3A_206 = arith.constant dense<0.000000e+00> : vector<512x256xf32>
    %dot_general3A_207 = tpu.matmul %get3A_1, %get3A_205, %dot_general3A_206 {dimension_numbers = #tpu.dot_dimension_numbers<[1], [1], [0], [0], [0, 0, 1, 0], [], []>, transpose_lhs_hint = false} : vector<512x768xf32>, vector<256x768xf32>, vector<512x256xf32> -> vector<512x256xf32>
    %slice3A_208 = vector.extract_strided_slice %get3A_4 {offsets = [0, 10], sizes = [512, 1], strides = [1, 1]} : vector<512x16xf32> to vector<512x1xf32>
    %squeeze3A_209 = vector.shape_cast %slice3A_208 : vector<512x1xf32> to vector<512xf32>
    %broadcast_in_dim3A_210 = vector.shape_cast %squeeze3A_209 : vector<512xf32> to vector<512x1xf32>
    %get3A_211 = arith.constant 10 : index
    %get3A_212 = arith.constant 0 : index
    %get3A_213 = vector.load %arg4[%get3A_211, %get3A_212] : memref<16x256xf32, #tpu.memory_space<vmem>>, vector<1x256xf32>
    %get3A_214 = vector.shape_cast %get3A_213 : vector<1x256xf32> to vector<256xf32>
    %broadcast_in_dim3A_215 = vector.shape_cast %get3A_214 : vector<256xf32> to vector<1x256xf32>
    %add3A_216 = vector.broadcast %broadcast_in_dim3A_215 : vector<1x256xf32> to vector<512x256xf32>
    %add3A_217 = arith.addf %dot_general3A_207, %add3A_216 : vector<512x256xf32>
    %mul3A_218 = vector.broadcast %broadcast_in_dim3A_210 : vector<512x1xf32> to vector<512x256xf32>
    %mul3A_219 = arith.mulf %mul3A_218, %add3A_217 : vector<512x256xf32>
    %add3A_220 = arith.addf %add3A_200, %mul3A_219 : vector<512x256xf32>
    %get3A_221 = arith.constant 11 : index
    %get3A_222 = arith.constant 0 : index
    %get3A_223 = arith.constant 0 : index
    %get3A_224 = vector.load %arg3[%get3A_221, %get3A_222, %get3A_223] : memref<16x256x768xf32, #tpu.memory_space<vmem>>, vector<1x256x768xf32>
    %get3A_225 = vector.shape_cast %get3A_224 : vector<1x256x768xf32> to vector<256x768xf32>
    %dot_general3A_226 = arith.constant dense<0.000000e+00> : vector<512x256xf32>
    %dot_general3A_227 = tpu.matmul %get3A_1, %get3A_225, %dot_general3A_226 {dimension_numbers = #tpu.dot_dimension_numbers<[1], [1], [0], [0], [0, 0, 1, 0], [], []>, transpose_lhs_hint = false} : vector<512x768xf32>, vector<256x768xf32>, vector<512x256xf32> -> vector<512x256xf32>
    %slice3A_228 = vector.extract_strided_slice %get3A_4 {offsets = [0, 11], sizes = [512, 1], strides = [1, 1]} : vector<512x16xf32> to vector<512x1xf32>
    %squeeze3A_229 = vector.shape_cast %slice3A_228 : vector<512x1xf32> to vector<512xf32>
    %broadcast_in_dim3A_230 = vector.shape_cast %squeeze3A_229 : vector<512xf32> to vector<512x1xf32>
    %get3A_231 = arith.constant 11 : index
    %get3A_232 = arith.constant 0 : index
    %get3A_233 = vector.load %arg4[%get3A_231, %get3A_232] : memref<16x256xf32, #tpu.memory_space<vmem>>, vector<1x256xf32>
    %get3A_234 = vector.shape_cast %get3A_233 : vector<1x256xf32> to vector<256xf32>
    %broadcast_in_dim3A_235 = vector.shape_cast %get3A_234 : vector<256xf32> to vector<1x256xf32>
    %add3A_236 = vector.broadcast %broadcast_in_dim3A_235 : vector<1x256xf32> to vector<512x256xf32>
    %add3A_237 = arith.addf %dot_general3A_227, %add3A_236 : vector<512x256xf32>
    %mul3A_238 = vector.broadcast %broadcast_in_dim3A_230 : vector<512x1xf32> to vector<512x256xf32>
    %mul3A_239 = arith.mulf %mul3A_238, %add3A_237 : vector<512x256xf32>
    %add3A_240 = arith.addf %add3A_220, %mul3A_239 : vector<512x256xf32>
    %get3A_241 = arith.constant 12 : index
    %get3A_242 = arith.constant 0 : index
    %get3A_243 = arith.constant 0 : index
    %get3A_244 = vector.load %arg3[%get3A_241, %get3A_242, %get3A_243] : memref<16x256x768xf32, #tpu.memory_space<vmem>>, vector<1x256x768xf32>
    %get3A_245 = vector.shape_cast %get3A_244 : vector<1x256x768xf32> to vector<256x768xf32>
    %dot_general3A_246 = arith.constant dense<0.000000e+00> : vector<512x256xf32>
    %dot_general3A_247 = tpu.matmul %get3A_1, %get3A_245, %dot_general3A_246 {dimension_numbers = #tpu.dot_dimension_numbers<[1], [1], [0], [0], [0, 0, 1, 0], [], []>, transpose_lhs_hint = false} : vector<512x768xf32>, vector<256x768xf32>, vector<512x256xf32> -> vector<512x256xf32>
    %slice3A_248 = vector.extract_strided_slice %get3A_4 {offsets = [0, 12], sizes = [512, 1], strides = [1, 1]} : vector<512x16xf32> to vector<512x1xf32>
    %squeeze3A_249 = vector.shape_cast %slice3A_248 : vector<512x1xf32> to vector<512xf32>
    %broadcast_in_dim3A_250 = vector.shape_cast %squeeze3A_249 : vector<512xf32> to vector<512x1xf32>
    %get3A_251 = arith.constant 12 : index
    %get3A_252 = arith.constant 0 : index
    %get3A_253 = vector.load %arg4[%get3A_251, %get3A_252] : memref<16x256xf32, #tpu.memory_space<vmem>>, vector<1x256xf32>
    %get3A_254 = vector.shape_cast %get3A_253 : vector<1x256xf32> to vector<256xf32>
    %broadcast_in_dim3A_255 = vector.shape_cast %get3A_254 : vector<256xf32> to vector<1x256xf32>
    %add3A_256 = vector.broadcast %broadcast_in_dim3A_255 : vector<1x256xf32> to vector<512x256xf32>
    %add3A_257 = arith.addf %dot_general3A_247, %add3A_256 : vector<512x256xf32>
    %mul3A_258 = vector.broadcast %broadcast_in_dim3A_250 : vector<512x1xf32> to vector<512x256xf32>
    %mul3A_259 = arith.mulf %mul3A_258, %add3A_257 : vector<512x256xf32>
    %add3A_260 = arith.addf %add3A_240, %mul3A_259 : vector<512x256xf32>
    %get3A_261 = arith.constant 13 : index
    %get3A_262 = arith.constant 0 : index
    %get3A_263 = arith.constant 0 : index
    %get3A_264 = vector.load %arg3[%get3A_261, %get3A_262, %get3A_263] : memref<16x256x768xf32, #tpu.memory_space<vmem>>, vector<1x256x768xf32>
    %get3A_265 = vector.shape_cast %get3A_264 : vector<1x256x768xf32> to vector<256x768xf32>
    %dot_general3A_266 = arith.constant dense<0.000000e+00> : vector<512x256xf32>
    %dot_general3A_267 = tpu.matmul %get3A_1, %get3A_265, %dot_general3A_266 {dimension_numbers = #tpu.dot_dimension_numbers<[1], [1], [0], [0], [0, 0, 1, 0], [], []>, transpose_lhs_hint = false} : vector<512x768xf32>, vector<256x768xf32>, vector<512x256xf32> -> vector<512x256xf32>
    %slice3A_268 = vector.extract_strided_slice %get3A_4 {offsets = [0, 13], sizes = [512, 1], strides = [1, 1]} : vector<512x16xf32> to vector<512x1xf32>
    %squeeze3A_269 = vector.shape_cast %slice3A_268 : vector<512x1xf32> to vector<512xf32>
    %broadcast_in_dim3A_270 = vector.shape_cast %squeeze3A_269 : vector<512xf32> to vector<512x1xf32>
    %get3A_271 = arith.constant 13 : index
    %get3A_272 = arith.constant 0 : index
    %get3A_273 = vector.load %arg4[%get3A_271, %get3A_272] : memref<16x256xf32, #tpu.memory_space<vmem>>, vector<1x256xf32>
    %get3A_274 = vector.shape_cast %get3A_273 : vector<1x256xf32> to vector<256xf32>
    %broadcast_in_dim3A_275 = vector.shape_cast %get3A_274 : vector<256xf32> to vector<1x256xf32>
    %add3A_276 = vector.broadcast %broadcast_in_dim3A_275 : vector<1x256xf32> to vector<512x256xf32>
    %add3A_277 = arith.addf %dot_general3A_267, %add3A_276 : vector<512x256xf32>
    %mul3A_278 = vector.broadcast %broadcast_in_dim3A_270 : vector<512x1xf32> to vector<512x256xf32>
    %mul3A_279 = arith.mulf %mul3A_278, %add3A_277 : vector<512x256xf32>
    %add3A_280 = arith.addf %add3A_260, %mul3A_279 : vector<512x256xf32>
    %get3A_281 = arith.constant 14 : index
    %get3A_282 = arith.constant 0 : index
    %get3A_283 = arith.constant 0 : index
    %get3A_284 = vector.load %arg3[%get3A_281, %get3A_282, %get3A_283] : memref<16x256x768xf32, #tpu.memory_space<vmem>>, vector<1x256x768xf32>
    %get3A_285 = vector.shape_cast %get3A_284 : vector<1x256x768xf32> to vector<256x768xf32>
    %dot_general3A_286 = arith.constant dense<0.000000e+00> : vector<512x256xf32>
    %dot_general3A_287 = tpu.matmul %get3A_1, %get3A_285, %dot_general3A_286 {dimension_numbers = #tpu.dot_dimension_numbers<[1], [1], [0], [0], [0, 0, 1, 0], [], []>, transpose_lhs_hint = false} : vector<512x768xf32>, vector<256x768xf32>, vector<512x256xf32> -> vector<512x256xf32>
    %slice3A_288 = vector.extract_strided_slice %get3A_4 {offsets = [0, 14], sizes = [512, 1], strides = [1, 1]} : vector<512x16xf32> to vector<512x1xf32>
    %squeeze3A_289 = vector.shape_cast %slice3A_288 : vector<512x1xf32> to vector<512xf32>
    %broadcast_in_dim3A_290 = vector.shape_cast %squeeze3A_289 : vector<512xf32> to vector<512x1xf32>
    %get3A_291 = arith.constant 14 : index
    %get3A_292 = arith.constant 0 : index
    %get3A_293 = vector.load %arg4[%get3A_291, %get3A_292] : memref<16x256xf32, #tpu.memory_space<vmem>>, vector<1x256xf32>
    %get3A_294 = vector.shape_cast %get3A_293 : vector<1x256xf32> to vector<256xf32>
    %broadcast_in_dim3A_295 = vector.shape_cast %get3A_294 : vector<256xf32> to vector<1x256xf32>
    %add3A_296 = vector.broadcast %broadcast_in_dim3A_295 : vector<1x256xf32> to vector<512x256xf32>
    %add3A_297 = arith.addf %dot_general3A_287, %add3A_296 : vector<512x256xf32>
    %mul3A_298 = vector.broadcast %broadcast_in_dim3A_290 : vector<512x1xf32> to vector<512x256xf32>
    %mul3A_299 = arith.mulf %mul3A_298, %add3A_297 : vector<512x256xf32>
    %add3A_300 = arith.addf %add3A_280, %mul3A_299 : vector<512x256xf32>
    %get3A_301 = arith.constant 15 : index
    %get3A_302 = arith.constant 0 : index
    %get3A_303 = arith.constant 0 : index
    %get3A_304 = vector.load %arg3[%get3A_301, %get3A_302, %get3A_303] : memref<16x256x768xf32, #tpu.memory_space<vmem>>, vector<1x256x768xf32>
    %get3A_305 = vector.shape_cast %get3A_304 : vector<1x256x768xf32> to vector<256x768xf32>
    %dot_general3A_306 = arith.constant dense<0.000000e+00> : vector<512x256xf32>
    %dot_general3A_307 = tpu.matmul %get3A_1, %get3A_305, %dot_general3A_306 {dimension_numbers = #tpu.dot_dimension_numbers<[1], [1], [0], [0], [0, 0, 1, 0], [], []>, transpose_lhs_hint = false} : vector<512x768xf32>, vector<256x768xf32>, vector<512x256xf32> -> vector<512x256xf32>
    %slice3A_308 = vector.extract_strided_slice %get3A_4 {offsets = [0, 15], sizes = [512, 1], strides = [1, 1]} : vector<512x16xf32> to vector<512x1xf32>
    %squeeze3A_309 = vector.shape_cast %slice3A_308 : vector<512x1xf32> to vector<512xf32>
    %broadcast_in_dim3A_310 = vector.shape_cast %squeeze3A_309 : vector<512xf32> to vector<512x1xf32>
    %get3A_311 = arith.constant 15 : index
    %get3A_312 = arith.constant 0 : index
    %get3A_313 = vector.load %arg4[%get3A_311, %get3A_312] : memref<16x256xf32, #tpu.memory_space<vmem>>, vector<1x256xf32>
    %get3A_314 = vector.shape_cast %get3A_313 : vector<1x256xf32> to vector<256xf32>
    %broadcast_in_dim3A_315 = vector.shape_cast %get3A_314 : vector<256xf32> to vector<1x256xf32>
    %add3A_316 = vector.broadcast %broadcast_in_dim3A_315 : vector<1x256xf32> to vector<512x256xf32>
    %add3A_317 = arith.addf %dot_general3A_307, %add3A_316 : vector<512x256xf32>
    %mul3A_318 = vector.broadcast %broadcast_in_dim3A_310 : vector<512x1xf32> to vector<512x256xf32>
    %mul3A_319 = arith.mulf %mul3A_318, %add3A_317 : vector<512x256xf32>
    %add3A_320 = arith.addf %add3A_300, %mul3A_319 : vector<512x256xf32>
    %swap3A = arith.constant 0 : index
    %swap3A_321 = arith.constant 0 : index
    %swap3A_322 = vector.load %arg5[%swap3A, %swap3A_321] : memref<512x256xf32, #tpu.memory_space<vmem>>, vector<512x256xf32>
    tpu.vector_store %arg5[%swap3A, %swap3A_321], %add3A_320 {strides = array<i32>} : memref<512x256xf32, #tpu.memory_space<vmem>>, vector<512x256xf32>,
    return
  }
  func.func @transform_0(%arg0: i32) -> (i32, i32) {
    %c0_i32 = arith.constant 0 : i32
    %c0_i32_0 = arith.constant 0 : i32
    return %arg0, %c0_i32 : i32, i32
  }
  func.func @transform_1(%arg0: i32) -> (i32, i32) {
    %c0_i32 = arith.constant 0 : i32
    %c0_i32_0 = arith.constant 0 : i32
    return %arg0, %c0_i32 : i32, i32
  }
  func.func @transform_2(%arg0: i32) -> (i32, i32, i32) {
    %c0_i32 = arith.constant 0 : i32
    %c0_i32_0 = arith.constant 0 : i32
    %c0_i32_1 = arith.constant 0 : i32
    %c0_i32_2 = arith.constant 0 : i32
    return %c0_i32, %c0_i32_0, %c0_i32_1 : i32, i32, i32
  }
  func.func @transform_3(%arg0: i32) -> (i32, i32) {
    %c0_i32 = arith.constant 0 : i32
    %c0_i32_0 = arith.constant 0 : i32
    %c0_i32_1 = arith.constant 0 : i32
    return %c0_i32, %c0_i32_0 : i32, i32
  }
  func.func @transform_4(%arg0: i32) -> (i32, i32) {
    %c0_i32 = arith.constant 0 : i32
    %c0_i32_0 = arith.constant 0 : i32
    return %arg0, %c0_i32 : i32, i32
  }
}

</mosaic_0001>

<sc_bundles>
// kernel: kernel.5.cloned.1.call-start
scs
__scs_entry_jumppad:
0x0: {  	(pc) =	sbr.rel $0x88, $3  }
0x1: {  	(tag) =	ssettag $0x0;
	lr =	simm.s32 $0x1  }
0x2: {  	[smem:$0x3F9C] =	sst lr;
	_ =	strace $0xD0000000  }
0x3: {  	_ = 	snop  }
0x4: {  	_ = 	snop  }
0x5: {  	_ = 	snop  }
0x6: {  	_ = 	snop  }
0x7: {  	_ = 	snop  }
__scs_overlays_trampoline_lowered:
0x8: {  	[smem:$0x3FAB] =	sst s0  }
0x9: {  	[smem:$0x3FAC] =	sst s1  }
0xa: {  	[smem:$0x3FAD] =	sst s2  }
0xb: {  	[smem:$0x3FAE] =	sst s3  }
0xc: {  	[smem:$0x3FAF] =	sst s4  }
0xd: {  	[smem:$0x3FB0] =	sst s5  }
0xe: {  	[smem:$0x3FB1] =	sst s6  }
0xf: {  	[smem:$0x3FB2] =	sst s7  }
0x10: {  	[smem:$0x3FB3] =	sst s8  }
0x11: {  	[smem:$0x3FB4] =	sst s9;
	s0 =	simm.s32 @!p0 $0x0  }
0x12: {  	s1 =	sld [smem:$0x3F9A];
	s0 =	simm.s32 @p0 $0x1  }
0x13: {  	[smem:$0x3FB5] =	sst s0;
	s0 =	simm.s32 @!p1 $0x0  }
0x14: {  	s2 =	sld [smem:$0x3F99];
	s0 =	simm.s32 @p1 $0x1  }
0x15: {  	[smem:$0x3FB6] =	sst s0;
	s0 =	simm.s32 @!p2 $0x0  }
0x16: {  	s3 =	sld [smem:$0x3FDB];
	s0 =	simm.s32 @p2 $0x1  }
0x17: {  	s4 =	simm.s32 $0x1BF5;
	[smem:$0x3FB8] =	sst s0  }
0x18: {  	s0 =	sld [smem:$0x3F9B];
	_ =	swait.ge [sflag:s4], $0x0  }
0x19: {  	s7 =	sld [smem:$0x3F9C]  }
0x1a: {  	s8 =	sadd.s32 $0xFFFFE003, lr  }
0x1b: {  	s9 =	sadd.s32 $0xFFFFFEF7, lr;
	s5 =	simm.s32 $0xFFFFFFFF;
	p2 =	slt.u32 s8, $0xFFFFF086  }
0x1c: {  	p1 =	slt.u32 s9, $0xF7A;
	s5 =	simm.s32 @!p2 $0x0  }
0x1d: {  	s5 =	simm.s32 @p1 $0x1;
	p0 =	seq.s32 s7, s2  }
0x1e: {  	s7 =	smul.u32 @!p0 $0xF7A, s2;
	p2 =	seq.s32 @!p0 s5, $0x0  }
0x1f: {  	s9 =	smul.u32 $0xF7A, s1;
	s8 =	simm.s32 @!p0 $0x1BF5;
	p2 =	por !p2, p0  }
0x20: {  	[sflag:s8] =	ssyncset.s32 @!p0 $0xFFFFF086;
	s6 =	sadd.s32 @!p0 s3, s7;
	s7 =	simm.s32 @!p0 $0x108  }
0x21: {  	s3 =	sadd.s32 s3, s9;
	s6 =	sadd.s32 @!p0 $0x88, s6;
	s7 =	simm.s32 @p2 $0x1082  }
0x22: {  	[simem:s7], [sflag:s8] =	dma.local @!p0 [hbm:s6], $0xF7A  }
0x23: {  	s9 =	sor.u32 $0xD0000000, s2;
	s6 =	simm.s32 $0x108;
	_ =	swait.ge @!p0 [sflag:s8], $0x0  }
0x24: {  	s3 =	sadd.s32 $0x88, s3;
	s6 =	simm.s32 @!p1 $0x1082;
	[sflag:s4] =	ssyncset.s32 $0xFFFFF086  }
0x25: {  	[simem:s6], [sflag:s4] =	dma.local [hbm:s3], $0xF7A  }
0x26: {  	[smem:$0x3F9C] =	sst s1;
	(tag) =	ssettag s2;
	_ =	strace s9  }
0x27: {  	s1 =	sld [smem:$0x3FAC]  }
0x28: {  	s2 =	sld [smem:$0x3FAD]  }
0x29: {  	s4 =	sld [smem:$0x3FAF]  }
0x2a: {  	p0 =	seq.s32 s5, $0x0;
	s5 =	sld [smem:$0x3FB0]  }
0x2b: {  	s6 =	sld [smem:$0x3FB1]  }
0x2c: {  	s7 =	sld [smem:$0x3FB2]  }
0x2d: {  	s3 =	simm.s32 $0x108;
	s8 =	sld [smem:$0x3FB3]  }
0x2e: {  	s3 =	simm.s32 @!p0 $0x1082;
	s9 =	sld [smem:$0x3FB4]  }
0x2f: {  	lr =	sadd.s32 s0, s3;
	s0 =	sld [smem:$0x3FAB]  }
0x30: {  	s3 =	sld [smem:$0x3FAE]  }
0x31: {  	[smem:$0x3FB7] =	sst s10  }
0x32: {  	s10 =	sld [smem:$0x3FB5];
	_ =	sdelay $0x3  }
0x33: {  	p0 =	seq.s32 s10, $0x1;
	s10 =	sld [smem:$0x3FB7];
	_ =	sdelay $0x3  }
0x34: {  	[smem:$0x3FB7] =	sst s10  }
0x35: {  	s10 =	sld [smem:$0x3FB6];
	_ =	sdelay $0x3  }
0x36: {  	p1 =	seq.s32 s10, $0x1;
	s10 =	sld [smem:$0x3FB7];
	_ =	sdelay $0x3  }
0x37: {  	[smem:$0x3FB7] =	sst s10  }
0x38: {  	s10 =	sld [smem:$0x3FB8]  }
0x39: {  	_ = 	snop;
	(pc) =	sbr.ind lr, $3  }
0x3a: {  	_ = 	snop  }
0x3b: {  	_ = 	snop  }
0x3c: {  	p2 =	seq.s32 s10, $0x1;
	s10 =	sld [smem:$0x3FB7]  }
0x3d: {  	_ =	shalt  }
0x3e: {  	_ =	shalt  }
0x3f: {  	_ =	shalt  }
0x40: {  	_ =	shalt  }
0x41: {  	_ =	shalt  }
0x42: {  	_ =	shalt  }
0x43: {  	_ =	shalt  }
0x44: {  	_ =	shalt  }
0x45: {  	_ =	shalt  }
0x46: {  	_ =	shalt  }
0x47: {  	_ =	shalt  }
0x48: {  	_ =	shalt  }
0x49: {  	_ =	shalt  }
0x4a: {  	_ =	shalt  }
0x4b: {  	_ =	shalt  }
0x4c: {  	_ =	shalt  }
0x4d: {  	_ =	shalt  }
0x4e: {  	_ =	shalt  }
0x4f: {  	_ =	shalt  }
0x50: {  	_ =	shalt  }
0x51: {  	_ =	shalt  }
0x52: {  	_ =	shalt  }
0x53: {  	_ =	shalt  }
0x54: {  	_ =	shalt  }
0x55: {  	_ =	shalt  }
0x56: {  	_ =	shalt  }
0x57: {  	_ =	shalt  }
0x58: {  	_ =	shalt  }
0x59: {  	_ =	shalt  }
0x5a: {  	_ =	shalt  }
0x5b: {  	_ =	shalt  }
0x5c: {  	_ =	shalt  }
0x5d: {  	_ =	shalt  }
0x5e: {  	_ =	shalt  }
0x5f: {  	_ =	shalt  }
0x60: {  	_ =	shalt  }
0x61: {  	_ =	shalt  }
0x62: {  	_ =	shalt  }
0x63: {  	_ =	shalt  }
0x64: {  	_ =	shalt  }
0x65: {  	_ =	shalt  }
0x66: {  	_ =	shalt  }
0x67: {  	_ =	shalt  }
0x68: {  	_ =	shalt  }
0x69: {  	_ =	shalt  }
0x6a: {  	_ =	shalt  }
0x6b: {  	_ =	shalt  }
0x6c: {  	_ =	shalt  }
0x6d: {  	_ =	shalt  }
0x6e: {  	_ =	shalt  }
0x6f: {  	_ =	shalt  }
0x70: {  	_ =	shalt  }
0x71: {  	_ =	shalt  }
0x72: {  	_ =	shalt  }
0x73: {  	_ =	shalt  }
0x74: {  	_ =	shalt  }
0x75: {  	_ =	shalt  }
0x76: {  	_ =	shalt  }
0x77: {  	_ =	shalt  }
0x78: {  	_ =	shalt  }
0x79: {  	_ =	shalt  }
0x7a: {  	_ =	shalt  }
0x7b: {  	_ =	shalt  }
0x7c: {  	_ =	shalt  }
0x7d: {  	_ =	shalt  }
0x7e: {  	_ =	shalt  }
0x7f: {  	_ =	shalt  }
0x80: {  	_ =	shalt  }
0x81: {  	_ =	shalt  }
0x82: {  	_ =	shalt  }
0x83: {  	_ =	shalt  }
0x84: {  	_ =	shalt  }
0x85: {  	_ =	shalt  }
0x86: {  	_ =	shalt  }
0x87: {  	_ =	shalt  }
.Lfunc_end0:
.L_simem_size_0:
called_computation_lowered:
.L_overlay_start_0:
0x88: {  	s2 =	sld [smem:$0x3FD9]  }
0x89: {  	s3 =	sld [smem:$0x3FFE];
	_ =	sdelay $0x1  }
0x8a: {  	s1 =	srdreg.scid  }
0x8b: {  	s0 =	sand.u32 $0x1, s1  }
0x8c: {  	s17 =	sshll.u32 s0, $0xA;
	s2 =	sadd.s32 s3, s2  }
0x8d: {  	s2 =	sadd.s32 s2, s17  }
0x8e: {  	[smem:$0x3FC3] =	sst s2  }
0x8f: {  	_ = 	snop  }
0x90: {  	s2 =	sld [smem:$0x3FD0];
	(tm) =	ssettm $0x1  }
0x91: {  	s18 =	sld [smem:$0x3FFB];
	_ =	sdelay $0x3  }
0x92: {  	_ =	strace s18  }
0x93: {  	s3 =	sld [smem:$0x3FFC];
	_ =	sdelay $0x3  }
0x94: {  	_ =	strace s3  }
0x95: {  	s3 =	sld [smem:$0x3FFD];
	_ =	sdelay $0x3  }
0x96: {  	_ =	strace s3  }
0x97: {  	_ =	strace $0x8FFFFFFF  }
0x98: {  	s19 =	sld [smem:$0x3FDB];
	_ =	sdelay $0x1  }
0x99: {  	s4 =	simm.s32 $_scs_section_size  }
0x9a: {  	s5 =	simm.s32 $_size__tile_overlayer_lowered;
	s6 =	simm.s32 $_tile_overlayer_lowered  }
0x9b: {  	s22 =	simm.s32 $0x1BFF;
	s21 =	sshll.u32 s6, $0x1;
	s3 =	sadd.s32 s4, s19  }
0x9c: {  	s7 =	simm.s32 $0x0;
	s20 =	sshll.u32 s5, $0x1;
	s5 =	sadd.s32 s21, s3  }
0x9d: {  	[timem:s7], [sflag:s22] =	dma.local [hbm:s5], s20  }
0x9e: {  	_ =	swait.ge [sflag:s22], s20  }
0x9f: {  	s4 =	ssub.s32 $0x0, s20;
	[sflag:s22] =	ssyncset.done $0x0  }
0xa0: {  	[sflag:s22] =	ssyncadd.s32 s4;
	_ =	sdelay $0x1  }
0xa1: {  	s23 =	simm.s32 $0x1B8B  }
0xa2: {  	_ =	swait.ge [sflag:s23], $0x1  }
0xa3: {  	[sflag:s23] =	ssyncset.done $0x0  }
0xa4: {  	s25 =	simm.s32 $0x1B8E;
	s24 =	sld [smem:$0x3FFE];
	[sflag:s23] =	ssyncadd.s32 $0xFFFFFFFF  }
0xa5: {  	s26 =	simm.s32 $execute0_lowered;
	[smem:$0x3FD2] =	sst s25  }
0xa6: {  	s5 =	sshll.u32 s26, $0x1;
	_ =	strace $0x80000046;
	[dreg:$0x1] =	wrdreg $0xFFFFFFFF  }
0xa7: {  	s28 =	simm.s32 $_size_execute0_lowered;
	s3 =	sadd.s32 s3, s5;
	[dreg:$0x0] =	wrdreg $0x0  }
0xa8: {  	s5 =	sshll.u32 s28, $0x1;
	[dreg:$0x2] =	wrdreg s3  }
0xa9: {  	[dreg:$0x3] =	wrdreg s5  }
0xaa: {  	[dreg:$0x4] =	wrdreg $0xC0  }
0xab: {  	_ =	task [dreg:s7], $0x5FFFF  }
0xac: {  	[dreg:$0x1] =	wrdreg $0xFFFFFFFF  }
0xad: {  	[dreg:$0x0] =	wrdreg $0x60  }
0xae: {  	[dreg:$0x2] =	wrdreg s2  }
0xaf: {  	[dreg:$0x3] =	wrdreg s24  }
0xb0: {  	[dreg:$0x4] =	wrdreg $0x9  }
0xb1: {  	_ =	task.clear_ibuf [dreg:s7], $0x5FFFF;
	_ =	strace $0x90000046  }
0xb2: {  	s29 =	simm.s32 $0x9;
	_ =	strace $0x80000048  }
0xb3: {  	_ =	swait.ge [sflag:s29], $0x1  }
0xb4: {  	[sflag:s29] =	ssyncadd.s32 $0xFFFFFFFF  }
0xb5: {  	_ =	strace $0x90000048  }
0xb6: {  	_ =	sfence  }
0xb7: {  	s30 =	sld [smem:$0x0];
	_ =	sdelay $0x2  }
0xb8: {  	s31 =	sshll.u32 s1, $0xD;
	s1 =	sshrl.u32 s1, $0x2  }
0xb9: {  	s3 =	sand.u32 $0x4000, s31;
	s1 =	sadd.s32 s1, s30  }
0xba: {  	s0 =	sor.u32 s3, s0;
	s1 =	sshll.u32 s1, $0x11  }
0xbb: {  	s0 =	sor.u32 s1, s0  }
0xbc: {  	s0 =	sadd.s32 $0x8F2B, s0  }
0xbd: {  	[sflag:s0] =	ssyncadd.remote.s32 $0x1  }
0xbe: {  	_ =	sfence.sel $0xFFFF  }
0xbf: {  	[dreg:$0x0] =	wrdreg $0xFFFFFFFF;
	(pc) =	sbr.abs _section_cstart, $3  }
0xc0: {  	[dreg:$0x1] =	wrdreg $0xFFFFFFFF  }
0xc1: {  	_ =	task.clear_ibuf [dreg:s7], $0x2FFFF;
	_ =	strace $0x9FFFFFFF  }
0xc2: {  	(tm) =	ssettm $0x7FFFFFFF  }
0xc3: {  	_ =	shalt  }
tec
execute0_lowered:
.L_overlay_start_1:
0x0: {  	(tag) =	ssettag $0x1  }
0x1: {  	v0 =	vimm.s32 $0xFEDCBA98;
	v1 =	vimm.s32 $0x76543210  }
0x2: {  	v2 =	vimm.s32 $0xBA98FEDC;
	v3 =	vimm.s32 $0x32107654;
	v4 =	vimm.s32 $0xDCFE98BA  }
0x3: {  	v5 =	vimm.s32 $0x54761032;
	v6 =	vimm.s32 $0xEFCDAB89;
	v7 =	vimm.s32 $0x67452301  }
0x4: {  	s3 =	rddreg [dreg:$0x0];
	v0 =	vunpack.c.l.s4.s8 v0;
	v1 =	vunpack.c.l.s4.s8 v1;
	v2 =	vunpack.c.l.s4.s8 v2  }
0x5: {  	s4 =	rddreg [dreg:$0x1];
	v3 =	vunpack.c.l.s4.s8 v3;
	v4 =	vunpack.c.l.s4.s8 v4;
	v5 =	vunpack.c.l.s4.s8 v5  }
0x6: {  	s0 =	rddreg [dreg:$0x2];
	s5 =	srdreg.scid;
	v6 =	vunpack.c.l.s4.s8 v6;
	v7 =	vunpack.c.l.s4.s8 v7;
	v0 =	vunpack.c.0.s8.s32 v0  }
0x7: {  	s2 =	simm.s32 $0x0;
	s1 =	stileid.u32;
	s8 =	simm.s32 $0x0;
	v2 =	vunpack.c.0.s8.s32 v2;
	v3 =	vunpack.c.0.s8.s32 v3;
	v4 =	vunpack.c.0.s8.s32 v4  }
0x8: {  	s5 =	sand.u32 $0x1, s5;
	s6 =	sshll.u32 s1, $0xC;
	[smem:$0x7FF] =	sst s2;
	v5 =	vunpack.c.0.s8.s32 v5;
	v6 =	vunpack.c.0.s8.s32 v6;
	v7 =	vunpack.c.0.s8.s32 v7  }
0x9: {  	s7 =	sshll.u32 s5, $0xB;
	s5 =	ssub.s32 $0x2, s5;
	_ =	strace $0x80000047;
	v1 =	vunpack.c.0.s8.s32 v1;
	v2 =	vcombine.low v3, v2  }
0xa: {  	s6 =	sor.u32 s7, s6;
	s31 =	sshrl.u32 s5, $0x1;
	s7 =	simm.s32 $0x4000;
	v3 =	vcombine.low v5, v4;
	v4 =	vcombine.low v7, v6;
	v0 =	vand.u32 $0xF, v0  }
0xb: {  	s4 =	sadd.s32 s6, s4;
	s5 =	ssub.s32 s5, s31;
	s3 =	sadd.s32 s3, s6;
	v0 =	vcombine.low v0, v1;
	v1 =	vand.u32 $0xF, v2  }
0xc: {  	s6 =	simm.s32 $0x1;
	s4 =	sadd.s32 $0x1000, s4;
	s5 =	smax.u32 s5, $0x1;
	v2 =	vand.u32 $0xF, v3;
	v3 =	vand.u32 $0xF, v4;
	v4 =	vlaneseq.u32  }
.LBB2_1:
0xd: {  	[tilespmem:s2], [sflag:$0x1] =	stream.linear.gather [hbm4b:s3+s2], $0x4000, $0x38;
	[tilespmem:$0x8000] =	vst v63  }
0xe: {  	_ =	swait.ge [sflag:s6], $0x4000  }
0xf: {  	[sflag:s6] =	ssyncset.done $0x0  }
0x10: {  	s9 =	simm.s32 $0x0;
	[sflag:s6] =	ssyncadd.s32 $0xFFFFC000  }
0x11: {  	v5 =	vld [tilespmem:s9+$0x0];
	_ =	sdelay $0x4  }
0x12: {  	v6 =	vperm.xlane v5, v0;
	_ =	sdelay $0x1  }
0x13: {  	v6 =	vmax.f32 v5, v6  }
0x14: {  	v7 =	vperm.xlane v6, v1;
	_ =	sdelay $0x1  }
0x15: {  	v6 =	vmax.f32 v6, v7  }
0x16: {  	v7 =	vperm.xlane v6, v2;
	_ =	sdelay $0x1  }
0x17: {  	v6 =	vmax.f32 v6, v7  }
0x18: {  	v7 =	vperm.xlane v6, v3;
	_ =	sdelay $0x1  }
0x19: {  	v6 =	vmax.f32 v6, v7  }
0x1a: {  	v5 =	vsub.f32 v5, v6;
	_ =	sdelay $0x1  }
0x1b: {  	v5 =	vmul.f32 $1.442695020e+00, v5;
	_ =	sdelay $0x1  }
0x1c: {  	(erf) = vpow2.f32 v5;
	_ =	sdelay $0x1  }
0x1d: {  	s10 =	simm.s32 $0x80  }
0x1e: {  	v5 =	vld [tilespmem:s10+$0x0];
	_ =	sdelay $0x4  }
0x1f: {  	v6 =	vperm.xlane v5, v0  }
0x20: {  	v7 =	vpop (erf)  }
0x21: {  	v6 =	vmax.f32 v5, v6;
	v8 =	vperm.xlane v7, v0  }
0x22: {  	v9 =	vperm.xlane v6, v1  }
0x23: {  	v8 =	vadd.f32 v7, v8  }
0x24: {  	v6 =	vmax.f32 v6, v9  }
0x25: {  	v9 =	vperm.xlane v6, v2;
	v10 =	vperm.xlane v8, v1;
	_ =	sdelay $0x1  }
0x26: {  	v6 =	vmax.f32 v6, v9;
	v8 =	vadd.f32 v8, v10  }
0x27: {  	v9 =	vperm.xlane v6, v3  }
0x28: {  	v10 =	vperm.xlane v8, v2  }
0x29: {  	v6 =	vmax.f32 v6, v9  }
0x2a: {  	v5 =	vsub.f32 v5, v6;
	v6 =	vadd.f32 v8, v10;
	_ =	sdelay $0x1  }
0x2b: {  	v5 =	vmul.f32 $1.442695020e+00, v5;
	v8 =	vperm.xlane v6, v3;
	_ =	sdelay $0x1  }
0x2c: {  	(erf) = vpow2.f32 v5;
	v5 =	vadd.f32 v6, v8  }
0x2d: {  	s11 =	simm.s32 $0x100  }
0x2e: {  	v6 =	vld [tilespmem:s11+$0x0];
	(erf) = vrcp.f32 v5;
	_ =	sdelay $0x4  }
0x2f: {  	v5 =	vperm.xlane v6, v0;
	_ =	sdelay $0x1  }
0x30: {  	v8 =	vpop (erf);
	v5 =	vmax.f32 v6, v5  }
0x31: {  	v10 =	vperm.xlane v8, v0;
	v9 =	vperm.xlane v5, v1  }
0x32: {  	v11 =	vpop (erf)  }
0x33: {  	v5 =	vmax.f32 v5, v9;
	v9 =	vadd.f32 v8, v10;
	v7 =	vmul.f32 v11, v7  }
0x34: {  	v10 =	vperm.xlane v5, v2  }
0x35: {  	v11 =	vperm.xlane v9, v1;
	v12 =	vperm.xlane v7, v0  }
0x36: {  	v5 =	vmax.f32 v5, v10  }
0x37: {  	v10 =	vperm.xlane v5, v3;
	v9 =	vadd.f32 v9, v11;
	v11 =	vmax.f32 v7, v12  }
0x38: {  	v12 =	vperm.xlane v11, v1  }
0x39: {  	v5 =	vmax.f32 v5, v10;
	v10 =	vperm.xlane v9, v2  }
0x3a: {  	v5 =	vsub.f32 v6, v5;
	v6 =	vmax.f32 v11, v12  }
0x3b: {  	v9 =	vadd.f32 v9, v10;
	v10 =	vperm.xlane v6, v2  }
0x3c: {  	v5 =	vmul.f32 $1.442695020e+00, v5  }
0x3d: {  	s12 =	simm.s32 $0x180;
	v11 =	vperm.xlane v9, v3;
	v6 =	vmax.f32 v6, v10  }
0x3e: {  	(erf) = vpow2.f32 v5;
	v10 =	vld [tilespmem:s12+$0x0];
	v5 =	vperm.xlane v6, v3  }
0x3f: {  	v9 =	vadd.f32 v9, v11  }
0x40: {  	v5 =	vmax.f32 v6, v5  }
0x41: {  	(erf) = vrcp.f32 v9;
	vm0 =	veq.f32 v7, v5  }
0x42: {  	v6 =	vnsel vm0, $0x10, v4  }
0x43: {  	v9 =	vperm.xlane v10, v0;
	v11 =	vperm.xlane v6, v0;
	_ =	sdelay $0x1  }
0x44: {  	v9 =	vmax.f32 v10, v9;
	vm0 =	vlt.s32 v6, v11  }
0x45: {  	v12 =	vperm.xlane v9, v1;
	v6 =	vsel vm0, v6, v11  }
0x46: {  	v14 =	vpop (erf);
	v11 =	vperm.xlane v6, v1  }
0x47: {  	v9 =	vmax.f32 v9, v12;
	v12 =	vperm.xlane v14, v0  }
0x48: {  	v13 =	vperm.xlane v9, v2;
	vm0 =	vlt.s32 v6, v11  }
0x49: {  	v15 =	vpop (erf);
	v12 =	vadd.f32 v14, v12;
	v6 =	vsel vm0, v6, v11  }
0x4a: {  	s13 =	simm.s32 $0x200;
	v8 =	vmul.f32 v15, v8;
	v9 =	vmax.f32 v9, v13;
	v11 =	vperm.xlane v6, v2  }
0x4b: {  	v15 =	vld [tilespmem:s13+$0x0];
	v13 =	vperm.xlane v9, v3;
	v16 =	vperm.xlane v12, v1  }
0x4c: {  	v17 =	vperm.xlane v8, v0;
	vm0 =	vlt.s32 v6, v11  }
0x4d: {  	v9 =	vmax.f32 v9, v13;
	v12 =	vadd.f32 v12, v16;
	v6 =	vsel vm0, v6, v11  }
0x4e: {  	v9 =	vsub.f32 v10, v9;
	v10 =	vmax.f32 v8, v17;
	v11 =	vperm.xlane v6, v3  }
0x4f: {  	v13 =	vperm.xlane v12, v2;
	v16 =	vperm.xlane v10, v1  }
0x50: {  	v17 =	vperm.xlane v15, v0;
	v9 =	vmul.f32 $1.442695020e+00, v9  }
0x51: {  	vm0 =	vlt.s32 v6, v11;
	v12 =	vadd.f32 v12, v13;
	v10 =	vmax.f32 v10, v16  }
0x52: {  	v6 =	vsel vm0, v6, v11;
	(erf) = vpow2.f32 v9;
	v9 =	vperm.xlane v10, v2  }
0x53: {  	vm0 =	veq.s32 v6, v4;
	v6 =	vmax.f32 v15, v17;
	v11 =	vperm.xlane v12, v3  }
0x54: {  	v16 =	vsel vm0, $0xFF800000, v7;
	v7 =	vperm.xlane v6, v1  }
0x55: {  	v9 =	vmax.f32 v10, v9;
	v10 =	vperm.xlane v16, v0;
	v11 =	vadd.f32 v12, v11  }
0x56: {  	v12 =	vperm.xlane v9, v3  }
0x57: {  	v7 =	vmax.f32 v6, v7;
	v10 =	vmax.f32 v16, v10;
	(erf) = vrcp.f32 v11  }
0x58: {  	v6 =	vmax.f32 v9, v12;
	v11 =	vperm.xlane v7, v2;
	v9 =	vperm.xlane v10, v1  }
0x59: {  	vm1 =	veq.f32 v8, v6  }
0x5a: {  	s14 =	simm.s32 $0x280;
	v12 =	vnsel vm1, $0x10, v4;
	v9 =	vmax.f32 v10, v9  }
0x5b: {  	v13 =	vld [tilespmem:s14+$0x0];
	v7 =	vmax.f32 v7, v11;
	v10 =	vperm.xlane v12, v0;
	v17 =	vperm.xlane v9, v2  }
0x5c: {  	v18 =	vperm.xlane v7, v3;
	v11 =	vpop (erf)  }
0x5d: {  	v19 =	vperm.xlane v11, v0;
	vm1 =	vlt.s32 v12, v10;
	v9 =	vmax.f32 v9, v17  }
0x5e: {  	vm0 =	vmmov vm0;
	v10 =	vsel vm1, v12, v10;
	v12 =	vperm.xlane v9, v3  }
0x5f: {  	v7 =	vmax.f32 v7, v18;
	v17 =	vadd.f32 v11, v19;
	v18 =	vperm.xlane v10, v1  }
0x60: {  	v15 =	vsub.f32 v15, v7;
	v19 =	vperm.xlane v13, v0;
	v7 =	vmax.f32 v9, v12  }
0x61: {  	v12 =	vperm.xlane v17, v1;
	v9 =	vpop (erf);
	vm1 =	vlt.s32 v10, v18;
	vm2 =	veq.f32 v16, v7  }
0x62: {  	v9 =	vmul.f32 v9, v14;
	v10 =	vsel vm1, v10, v18;
	v14 =	vnsel vm2, $0x10, v4  }
0x63: {  	v16 =	vmax.f32 v13, v19;
	v18 =	vperm.xlane v10, v2;
	v19 =	vperm.xlane v14, v0  }
0x64: {  	v15 =	vmul.f32 $1.442695020e+00, v15;
	v20 =	vperm.xlane v16, v1;
	v12 =	vadd.f32 v17, v12  }
0x65: {  	v17 =	vperm.xlane v9, v0;
	vm1 =	vlt.s32 v10, v18;
	vm2 =	vlt.s32 v14, v19  }
0x66: {  	v21 =	vperm.xlane v12, v2;
	v10 =	vsel vm1, v10, v18;
	v14 =	vsel vm2, v14, v19  }
0x67: {  	v17 =	vmax.f32 v9, v17;
	v18 =	vperm.xlane v10, v3;
	v19 =	vperm.xlane v14, v1  }
0x68: {  	(erf) = vpow2.f32 v15;
	v16 =	vmax.f32 v16, v20;
	v15 =	vperm.xlane v17, v1  }
0x69: {  	v12 =	vadd.f32 v12, v21;
	vm1 =	vlt.s32 v10, v18;
	vm2 =	vlt.s32 v14, v19  }
0x6a: {  	v15 =	vmax.f32 v17, v15;
	v10 =	vsel vm1, v10, v18;
	v17 =	vsel vm2, v14, v19  }
0x6b: {  	v18 =	vperm.xlane v15, v2;
	vm1 =	veq.s32 v10, v4;
	v10 =	vperm.xlane v17, v2  }
0x6c: {  	v20 =	vperm.xlane v12, v3;
	v19 =	vperm.xlane v16, v2;
	v14 =	vsel vm1, $0xFF800000, v8  }
0x6d: {  	v8 =	vmax.f32 v15, v18;
	v15 =	vperm.xlane v14, v0;
	vm2 =	vlt.s32 v17, v10  }
0x6e: {  	v18 =	vadd.f32 v12, v20;
	v20 =	vperm.xlane v8, v3;
	v10 =	vsel vm2, v17, v10  }
0x6f: {  	v17 =	vmax.f32 v16, v19;
	v16 =	vmax.f32 v14, v15;
	v12 =	vperm.xlane v10, v3  }
0x70: {  	(erf) = vrcp.f32 v18;
	v8 =	vmax.f32 v8, v20;
	v18 =	vperm.xlane v16, v1  }
0x71: {  	s15 =	simm.s32 $0xC00;
	v19 =	vperm.xlane v17, v3;
	vm3 =	veq.f32 v9, v8;
	v15 =	vpop (erf);
	vm2 =	vlt.s32 v10, v12  }
.LBB2_2:
0x72: {  	s16 =	sshra.s32 s15, $0x2;
	p0 =	sne.s32 s15, $0xFE00;
	v20 =	vnsel vm3, $0x10, v4;
	v16 =	vmax.f32 v16, v18;
	v10 =	vsel vm2, v10, v12  }
0x73: {  	v12 =	vld [tilespmem:s16+$0x0];
	v18 =	vperm.xlane v20, v0;
	v21 =	vperm.xlane v16, v2;
	vm2 =	veq.s32 v10, v4  }
0x74: {  	v22 =	vnsel vm0, $0x0, v5;
	v5 =	vmovc v6;
	v6 =	vmovc v8;
	v10 =	vperm.xlane v15, v0;
	v7 =	vnsel vm2, $0x0, v7  }
0x75: {  	vm0 =	vlt.s32 v20, v18;
	v8 =	vmax.f32 v16, v21;
	v7 =	vadd.f32 v7, v22  }
0x76: {  	v16 =	vsel vm0, v20, v18;
	v18 =	vperm.xlane v8, v3;
	vm0 =	vmmov vm1  }
0x77: {  	v17 =	vmax.f32 v17, v19;
	v10 =	vadd.f32 v15, v10;
	v19 =	vperm.xlane v16, v1;
	[tilespmem:s9+$0x4000] =	vst v7;
	s9 =	smov.u32 s10;
	s10 =	smov.u32 s11;
	s11 =	smov.u32 s12  }
0x78: {  	v17 =	vsub.f32 v13, v17;
	s12 =	smov.u32 s13;
	s13 =	smov.u32 s14;
	s14 =	smov.u32 s16;
	v20 =	vperm.xlane v12, v0;
	v7 =	vmax.f32 v8, v18;
	v13 =	vmovc v12  }
0x79: {  	v8 =	vperm.xlane v10, v1;
	v12 =	vpop (erf);
	vm1 =	vlt.s32 v16, v19;
	vm2 =	veq.f32 v14, v7  }
0x7a: {  	v12 =	vmul.f32 v12, v11;
	v14 =	vsel vm1, v16, v19;
	v16 =	vnsel vm2, $0x10, v4;
	v11 =	vmovc v15  }
0x7b: {  	v15 =	vmax.f32 v13, v20;
	v18 =	vperm.xlane v14, v2;
	v19 =	vperm.xlane v16, v0  }
0x7c: {  	v17 =	vmul.f32 $1.442695020e+00, v17;
	v8 =	vadd.f32 v10, v8;
	v20 =	vperm.xlane v15, v1  }
0x7d: {  	v10 =	vperm.xlane v12, v0;
	vm1 =	vlt.s32 v14, v18;
	vm2 =	vlt.s32 v16, v19  }
0x7e: {  	v21 =	vperm.xlane v8, v2;
	v14 =	vsel vm1, v14, v18;
	v16 =	vsel vm2, v16, v19  }
0x7f: {  	v10 =	vmax.f32 v12, v10;
	v18 =	vperm.xlane v14, v3;
	v19 =	vperm.xlane v16, v1  }
0x80: {  	v15 =	vmax.f32 v15, v20;
	(erf) = vpow2.f32 v17;
	v17 =	vperm.xlane v10, v1  }
0x81: {  	v8 =	vadd.f32 v8, v21;
	vm1 =	vlt.s32 v14, v18;
	vm2 =	vlt.s32 v16, v19  }
0x82: {  	v10 =	vmax.f32 v10, v17;
	v14 =	vsel vm1, v14, v18;
	v16 =	vsel vm2, v16, v19  }
0x83: {  	v17 =	vperm.xlane v10, v2;
	vm1 =	veq.s32 v14, v4;
	v18 =	vperm.xlane v16, v2  }
0x84: {  	v20 =	vperm.xlane v8, v3;
	v19 =	vperm.xlane v15, v2;
	v14 =	vsel vm1, $0xFF800000, v9;
	v9 =	vmovc v12  }
.Ltmp0:
0x85: {  	v21 =	vmax.f32 v10, v17;
	v12 =	vperm.xlane v14, v0;
	vm2 =	vlt.s32 v16, v18;
	(pc) =	sbr.rel @p0 .LBB2_2-.Ltmp0, $4  }
0x86: {  	v8 =	vadd.f32 v8, v20;
	v20 =	vperm.xlane v21, v3;
	v10 =	vsel vm2, v16, v18  }
0x87: {  	v17 =	vmax.f32 v15, v19;
	v16 =	vmax.f32 v14, v12;
	v12 =	vperm.xlane v10, v3  }
0x88: {  	(erf) = vrcp.f32 v8;
	v8 =	vmax.f32 v21, v20;
	v18 =	vperm.xlane v16, v1  }
0x89: {  	s15 =	sadd.s32 $0x200, s15;
	v19 =	vperm.xlane v17, v3;
	v15 =	vpop (erf);
	vm3 =	veq.f32 v9, v8;
	vm2 =	vlt.s32 v10, v12  }
0x8a: {  	_ = 	snop  }
0x8b: {  	v17 =	vmax.f32 v17, v19  }
0x8c: {  	v13 =	vsub.f32 v13, v17;
	_ =	sdelay $0x1  }
0x8d: {  	v13 =	vmul.f32 $1.442695020e+00, v13;
	_ =	sdelay $0x1  }
0x8e: {  	(erf) = vpow2.f32 v13;
	_ =	sdelay $0x7  }
0x8f: {  	v58 =	vpop (erf)  }
0x90: {  	v59 =	vperm.xlane v15, v0;
	v60 =	vpop (erf)  }
0x91: {  	v20 =	vperm.xlane v60, v0  }
0x92: {  	v17 =	vadd.f32 v15, v59  }
0x93: {  	v20 =	vadd.f32 v60, v20  }
0x94: {  	v21 =	vperm.xlane v17, v1  }
0x95: {  	v22 =	vperm.xlane v20, v1  }
0x96: {  	v17 =	vadd.f32 v17, v21  }
0x97: {  	v20 =	vadd.f32 v20, v22  }
0x98: {  	v21 =	vperm.xlane v17, v2  }
0x99: {  	v22 =	vperm.xlane v20, v2  }
0x9a: {  	v17 =	vadd.f32 v17, v21  }
0x9b: {  	v20 =	vadd.f32 v20, v22  }
0x9c: {  	v21 =	vperm.xlane v17, v3  }
0x9d: {  	v22 =	vperm.xlane v20, v3  }
0x9e: {  	v23 =	vnsel vm3, $0x10, v4;
	v24 =	vmul.f32 v58, v11;
	v61 =	vadd.f32 v17, v21  }
0x9f: {  	v62 =	vperm.xlane v23, v0;
	v63 =	vadd.f32 v20, v22  }
0xa0: {  	v25 =	vperm.xlane v24, v0;
	(erf) = vrcp.f32 v61  }
0xa1: {  	v26 =	vmax.f32 v16, v18;
	vm3 =	vlt.s32 v23, v62;
	(erf) = vrcp.f32 v63  }
0xa2: {  	v16 =	vperm.xlane v26, v2;
	v13 =	vsel vm3, v23, v62;
	v27 =	vmax.f32 v24, v25  }
0xa3: {  	v28 =	vperm.xlane v13, v1;
	v20 =	vperm.xlane v27, v1  }
0xa4: {  	v11 =	vmax.f32 v26, v16  }
0xa5: {  	v16 =	vperm.xlane v11, v3;
	vm3 =	vlt.s32 v13, v28;
	v17 =	vmax.f32 v27, v20  }
0xa6: {  	v18 =	vsel vm3, v13, v28;
	v20 =	vperm.xlane v17, v2  }
0xa7: {  	v13 =	vmax.f32 v11, v16;
	v29 =	vperm.xlane v18, v2  }
0xa8: {  	v10 =	vsel vm2, v10, v12;
	vm7 =	veq.f32 v14, v13;
	v30 =	vmax.f32 v17, v20  }
0xa9: {  	v31 =	vnsel vm7, $0x10, v4;
	vm8 =	vlt.s32 v18, v29;
	v32 =	vpop (erf);
	v17 =	vperm.xlane v30, v3  }
0xaa: {  	v33 =	vperm.xlane v31, v0;
	v18 =	vsel vm8, v18, v29;
	v15 =	vmul.f32 v32, v15;
	v34 =	vpop (erf)  }
0xab: {  	v35 =	vperm.xlane v18, v3;
	v11 =	vmax.f32 v30, v17;
	v17 =	vmul.f32 v34, v60  }
0xac: {  	v5 =	vnsel vm0, $0x0, v5;
	vm1 =	vmmov vm1;
	v36 =	vperm.xlane v15, v0  }
0xad: {  	vm4 =	vlt.s32 v31, v33;
	vm5 =	vlt.s32 v18, v35;
	v20 =	vperm.xlane v17, v0  }
0xae: {  	v16 =	vsel vm4, v31, v33;
	v18 =	vsel vm5, v18, v35;
	v14 =	vmax.f32 v15, v36  }
0xaf: {  	v39 =	vperm.xlane v14, v1;
	vm9 =	veq.f32 v24, v11;
	v20 =	vmax.f32 v17, v20  }
0xb0: {  	v49 =	vperm.xlane v16, v1;
	v37 =	vnsel vm9, $0x10, v4;
	v41 =	vperm.xlane v20, v1  }
0xb1: {  	vm3 =	veq.s32 v18, v4;
	v14 =	vmax.f32 v14, v39;
	v38 =	vperm.xlane v37, v0  }
0xb2: {  	v40 =	vsel vm3, $0xFF800000, v9;
	v43 =	vperm.xlane v14, v2;
	v9 =	vmax.f32 v20, v41  }
0xb3: {  	v6 =	vnsel vm1, $0x0, v6;
	vm10 =	vlt.s32 v37, v38;
	v45 =	vperm.xlane v9, v2  }
0xb4: {  	vm14 =	vlt.s32 v16, v49;
	v14 =	vmax.f32 v14, v43;
	v19 =	vsel vm10, v37, v38  }
0xb5: {  	v46 =	vperm.xlane v14, v3;
	v42 =	vperm.xlane v19, v1;
	v9 =	vmax.f32 v9, v45  }
0xb6: {  	v25 =	vperm.xlane v40, v0;
	v16 =	vsel vm14, v16, v49;
	v48 =	vperm.xlane v9, v3  }
0xb7: {  	v61 =	vperm.xlane v16, v2;
	v14 =	vmax.f32 v14, v46;
	vm11 =	vlt.s32 v19, v42  }
0xb8: {  	vm12 =	veq.f32 v15, v14;
	v18 =	vsel vm11, v19, v42;
	v9 =	vmax.f32 v9, v48  }
0xb9: {  	v50 =	vnsel vm12, $0x10, v4;
	v47 =	vperm.xlane v18, v2;
	vm13 =	veq.f32 v17, v9  }
0xba: {  	v44 =	vmax.f32 v40, v25;
	v51 =	vperm.xlane v50, v0;
	v27 =	vnsel vm13, $0x10, v4  }
0xbb: {  	v25 =	vperm.xlane v44, v1;
	vm4 =	vlt.s32 v18, v47;
	v28 =	vperm.xlane v27, v0  }
0xbc: {  	vm7 =	vlt.s32 v16, v61;
	vm6 =	vlt.s32 v50, v51;
	v18 =	vsel vm4, v18, v47  }
0xbd: {  	v19 =	vsel vm6, v50, v51;
	v21 =	vperm.xlane v18, v3;
	vm9 =	vlt.s32 v27, v28  }
0xbe: {  	v16 =	vsel vm7, v16, v61;
	v52 =	vperm.xlane v19, v1;
	v53 =	vsel vm9, v27, v28  }
0xbf: {  	v20 =	vmax.f32 v44, v25;
	vm15 =	vlt.s32 v18, v21;
	v55 =	vperm.xlane v53, v1  }
0xc0: {  	v26 =	vperm.xlane v20, v2;
	vm10 =	vlt.s32 v19, v52;
	v18 =	vsel vm15, v18, v21  }
0xc1: {  	vm4 =	veq.s32 v18, v4;
	v18 =	vsel vm10, v19, v52;
	vm11 =	vlt.s32 v53, v55  }
0xc2: {  	v24 =	vsel vm4, $0xFF800000, v24;
	v58 =	vperm.xlane v18, v2;
	v21 =	vsel vm11, v53, v55  }
0xc3: {  	v20 =	vmax.f32 v20, v26;
	v56 =	vperm.xlane v24, v0;
	v60 =	vperm.xlane v21, v2  }
0xc4: {  	vm7 =	veq.s32 v10, v4;
	v54 =	vperm.xlane v20, v3;
	vm13 =	vlt.s32 v18, v58  }
0xc5: {  	v57 =	vmax.f32 v24, v56;
	v18 =	vsel vm13, v18, v58;
	vm14 =	vlt.s32 v21, v60  }
0xc6: {  	v59 =	vperm.xlane v57, v1;
	v32 =	vperm.xlane v18, v3;
	v21 =	vsel vm14, v21, v60  }
0xc7: {  	v7 =	vnsel vm7, $0x0, v7;
	v20 =	vmax.f32 v20, v54;
	v34 =	vperm.xlane v21, v3  }
0xc8: {  	vm12 =	veq.f32 v40, v20;
	v19 =	vmax.f32 v57, v59;
	vm15 =	vlt.s32 v18, v32  }
0xc9: {  	v63 =	vperm.xlane v19, v2;
	v18 =	vsel vm15, v18, v32;
	vm11 =	vlt.s32 v21, v34  }
0xca: {  	v62 =	vnsel vm12, $0x10, v4;
	vm6 =	veq.s32 v18, v4;
	v35 =	vsel vm11, v21, v34  }
0xcb: {  	v19 =	vmax.f32 v19, v63;
	v15 =	vsel vm6, $0xFF800000, v15;
	vm5 =	veq.s32 v35, v4  }
0xcc: {  	v22 =	vperm.xlane v19, v3;
	v38 =	vperm.xlane v15, v0;
	v17 =	vsel vm5, $0xFF800000, v17  }
0xcd: {  	v5 =	vadd.f32 v7, v5;
	v33 =	vperm.xlane v62, v0;
	v40 =	vperm.xlane v17, v0  }
0xce: {  	v44 =	vperm.xlane v16, v3;
	v37 =	vmax.f32 v19, v22;
	v19 =	vmax.f32 v15, v38  }
0xcf: {  	vm8 =	vlt.s32 v62, v33;
	v41 =	vperm.xlane v19, v1;
	v23 =	vmax.f32 v17, v40  }
0xd0: {  	vm7 =	vmmov vm4;
	v36 =	vsel vm8, v62, v33;
	v43 =	vperm.xlane v23, v1  }
0xd1: {  	v11 =	vnsel vm7, $0x0, v11;
	v39 =	vperm.xlane v36, v1;
	v19 =	vmax.f32 v19, v41  }
0xd2: {  	vm12 =	veq.f32 v24, v37;
	v46 =	vperm.xlane v19, v2;
	v23 =	vmax.f32 v23, v43  }
0xd3: {  	vm13 =	vlt.s32 v36, v39;
	v24 =	vnsel vm12, $0x10, v4;
	v48 =	vperm.xlane v23, v2  }
0xd4: {  	vm15 =	vlt.s32 v16, v44;
	v42 =	vperm.xlane v24, v0;
	v19 =	vmax.f32 v19, v46  }
0xd5: {  	v21 =	vsel vm13, v36, v39;
	v49 =	vperm.xlane v19, v3;
	v22 =	vmax.f32 v23, v48  }
0xd6: {  	v45 =	vperm.xlane v21, v2;
	vm14 =	vlt.s32 v24, v42;
	v50 =	vperm.xlane v22, v3  }
0xd7: {  	v16 =	vsel vm15, v16, v44;
	v47 =	vsel vm14, v24, v42;
	v19 =	vmax.f32 v19, v49  }
0xd8: {  	vm9 =	vlt.s32 v21, v45;
	vm11 =	veq.f32 v15, v19;
	v52 =	vmax.f32 v22, v50  }
0xd9: {  	v24 =	vperm.xlane v47, v1;
	v54 =	vnsel vm11, $0x10, v4;
	vm12 =	veq.f32 v17, v52  }
0xda: {  	v21 =	vsel vm9, v21, v45;
	v55 =	vperm.xlane v54, v0;
	v17 =	vnsel vm12, $0x10, v4  }
0xdb: {  	vm9 =	veq.s32 v16, v4;
	v51 =	vperm.xlane v21, v3;
	v56 =	vperm.xlane v17, v0  }
0xdc: {  	v13 =	vnsel vm9, $0x0, v13;
	vm10 =	vlt.s32 v47, v24;
	vm15 =	vlt.s32 v54, v55  }
0xdd: {  	v6 =	vadd.f32 v13, v6;
	v57 =	vsel vm15, v54, v55;
	vm8 =	vlt.s32 v17, v56  }
0xde: {  	v12 =	vsel vm10, v47, v24;
	v58 =	vperm.xlane v57, v1;
	v17 =	vsel vm8, v17, v56  }
0xdf: {  	vm13 =	vlt.s32 v21, v51;
	v53 =	vperm.xlane v12, v2;
	v23 =	vperm.xlane v17, v1  }
0xe0: {  	v21 =	vsel vm13, v21, v51;
	vm13 =	vmmov vm3;
	vm11 =	vlt.s32 v57, v58  }
0xe1: {  	v8 =	vnsel vm13, $0x0, v8;
	v10 =	vsel vm11, v57, v58;
	vm12 =	vlt.s32 v17, v23  }
0xe2: {  	vm14 =	vlt.s32 v12, v53;
	v7 =	vperm.xlane v10, v2;
	v59 =	vsel vm12, v17, v23  }
0xe3: {  	v12 =	vsel vm14, v12, v53;
	vm14 =	veq.s32 v21, v4;
	v17 =	vperm.xlane v59, v2  }
0xe4: {  	v60 =	vnsel vm14, $0x0, v20;
	vm14 =	vmmov vm5;
	vm15 =	vlt.s32 v10, v7  }
0xe5: {  	v22 =	vperm.xlane v12, v3;
	v7 =	vsel vm15, v10, v7;
	vm8 =	vlt.s32 v59, v17  }
0xe6: {  	v8 =	vadd.f32 v60, v8;
	v62 =	vperm.xlane v7, v3;
	v61 =	vsel vm8, v59, v17  }
0xe7: {  	vm10 =	vlt.s32 v12, v22;
	vm11 =	vmmov vm6;
	v17 =	vperm.xlane v61, v3  }
0xe8: {  	[tilespmem:s9+$0x4000] =	vst v5;
	v12 =	vsel vm10, v12, v22;
	v5 =	vnsel vm11, $0x0, v14;
	vm10 =	vlt.s32 v7, v62  }
0xe9: {  	vm9 =	veq.s32 v12, v4;
	v7 =	vsel vm10, v7, v62;
	vm12 =	vlt.s32 v61, v17  }
0xea: {  	v63 =	vnsel vm9, $0x0, v37;
	vm13 =	veq.s32 v7, v4;
	v7 =	vsel vm12, v61, v17  }
0xeb: {  	[tilespmem:s10+$0x4000] =	vst v6;
	v11 =	vadd.f32 v63, v11;
	v6 =	vnsel vm13, $0x0, v19;
	vm15 =	veq.s32 v7, v4  }
0xec: {  	[tilespmem:s11+$0x4000] =	vst v8;
	v5 =	vadd.f32 v6, v5;
	v6 =	vnsel vm14, $0x0, v9;
	v7 =	vnsel vm15, $0x0, v52  }
0xed: {  	s8 =	sadd.s32 $0x1, s8;
	[tilespmem:s12+$0x4000] =	vst v11;
	v6 =	vadd.f32 v7, v6  }
0xee: {  	p0 =	sne.s32 s8, s5;
	[tilespmem:s13+$0x4000] =	vst v5  }
.Ltmp1:
0xef: {  	[tilespmem:s14+$0x4000] =	vst v6;
	(pc) =	sbr.rel @p0 .LBB2_1-.Ltmp1, $4  }
0xf0: {  	[hbm4b:s4+s2] =	stream.linear.scatter [tilespmem:s7], [sflag:$0x1], $0x4000, $0x38;
	[tilespmem:$0x8000] =	vst v63  }
0xf1: {  	_ =	swait.ge [sflag:s6], $0x4000  }
0xf2: {  	[sflag:s6] =	ssyncset.done $0x0  }
0xf3: {  	[sflag:s6] =	ssyncadd.s32 $0xFFFFC000  }
0xf4: {  	_ =	sfence.sel $0x180000  }
0xf5: {  	[bflag:$0x0] =	sbarrier.arrive $0xFFFF  }
0xf6: {  	p0 =	sne.s32 s1, $0x0;
	_ =	strace $0x90000047  }
0xf7: {  	s0 =	sadd.s32 @!p0 $0x100000, s0;
	[bflag:$0x2] =	sbarrier.arrive $0xFFFF  }
0xf8: {  	[sflag:s0] =	ssyncadd.tile.s32 @!p0 $0x1;
	_ =	shalt  }
.Lfunc_end2:
_tile_overlayer_lowered:
.L_overlay_start_2:
0xf9: {  	(tag) =	ssettag $0x2  }
0xfa: {  	s0 =	rddreg [dreg:$0x0];
	s2 =	stileid.u32  }
0xfb: {  	s1 =	rddreg [dreg:$0x1];
	p0 =	sne.s32 s2, $0x0  }
0xfc: {  	s3 =	rddreg [dreg:$0x2];
	[bflag:$0x3] =	sbarrier.arrive $0xFFFF;
	s2 =	simm.s32 @!p0 $0x1C01  }
0xfd: {  	[timem:s3], [sflag:s2] =	dma.local @!p0 [hbm:s0], s1  }
0xfe: {  	s0 =	simm.s32 @!p0 $0x1  }
0xff: {  	_ =	swait.ge @!p0 [sflag:s0], s1  }
0x100: {  	s1 =	ssub.s32 @!p0 $0x0, s1;
	[sflag:s0] =	ssyncset.done @!p0 $0x0  }
0x101: {  	[sflag:s0] =	ssyncadd.s32 @!p0 s1  }
0x102: {  	[bflag:$0x3] =	sbarrier.arrive $0xFFFF  }
0x103: {  	_ =	shalt  }

</sc_bundles>
